<compile_context>
chip_gen: v7x
topology: tpu7x:2x2x1
jax: 0.10.2.dev20260603
libtpu: 0.0.44.dev20260713+nightly
codegen_flags: <defaults>
</compile_context>

<pallas_src>
import jax
import jax.numpy as jnp
from jax import lax
from jax.experimental import pallas as pl
from jax.experimental.pallas import tpu as pltpu
from jax.experimental.pallas import tpu_sc as plsc

N = 64
T = 64
NB = 32
NP = 64
NSEG = NP - 1
L = 16
NV = T // L
NPTS = NB * NP
ROAD_W = 3 * NPTS
POS_W = 3 * T

N_SC = 16
N_TC = N - N_SC


def _seg_step(rb, ptv, ax, ay, az, px, py, pz, bd, bp):
    p1 = ptv + 1
    bx = plsc.load_gather(rb, [p1])
    by = plsc.load_gather(rb, [p1 + NPTS])
    bz = plsc.load_gather(rb, [p1 + 2 * NPTS])
    dx = bx - ax
    dy = by - ay
    dz = bz - az
    dd = dx * dx + dy * dy + dz * dz
    rdd = 1.0 / jnp.maximum(dd, 1e-12)
    nbd, nbp = [], []
    for v in range(NV):
        pax = px[v] - ax
        pay = py[v] - ay
        paz = pz[v] - az
        u = pax * dx + pay * dy + paz * dz
        t = jnp.clip(u * rdd, 0.0, 1.0)
        ex = pax - t * dx
        ey = pay - t * dy
        ez = paz - t * dz
        d2 = ex * ex + ey * ey + ez * ez
        m = d2 < bd[v]
        nbd.append(jnp.where(m, d2, bd[v]))
        nbp.append(jnp.where(m, ptv, bp[v]))
    return p1, bx, by, bz, tuple(nbd), tuple(nbp)


def _sc_body(road_hbm, pos_hbm, out_hbm, roadbuf, posbuf, outbuf,
             xferbuf, prtbuf, sh_part):
    cid = lax.axis_index("c")
    sid = lax.axis_index("s")
    wid = cid * 16 + sid
    n = cid * 8 + sid // 2
    half = sid % 2

    pltpu.sync_copy(road_hbm.at[n], roadbuf)
    pltpu.sync_copy(pos_hbm.at[n], posbuf)
    px = [posbuf[pl.ds(v * L, L)] for v in range(NV)]
    py = [posbuf[pl.ds(T + v * L, L)] for v in range(NV)]
    pz = [posbuf[pl.ds(2 * T + v * L, L)] for v in range(NV)]

    ptv0 = jnp.full((L,), 1, jnp.int32) * (half * 16 * NP)
    bd0 = tuple(jnp.full((L,), jnp.inf, jnp.float32) for _ in range(NV))
    bp0 = tuple(jnp.zeros((L,), jnp.int32) for _ in range(NV))

    def outer(_, c):
        ptv, bd, bp = c
        ax = plsc.load_gather(roadbuf, [ptv])
        ay = plsc.load_gather(roadbuf, [ptv + NPTS])
        az = plsc.load_gather(roadbuf, [ptv + 2 * NPTS])

        def inner(_, c2):
            return _seg_step(roadbuf, *c2[:4], px, py, pz, *c2[4:])

        ptv, _, _, _, bd, bp = lax.fori_loop(
            0, NSEG, inner, (ptv, ax, ay, az, bd, bp))
        return (ptv + 1, bd, bp)

    _, bd, bp = lax.fori_loop(0, NB // 2, outer, (ptv0, bd0, bp0))

    for v in range(NV):
        xferbuf[pl.ds(v * L, L)] = bd[v]
        xferbuf[pl.ds(T + v * L, L)] = plsc.bitcast(bp[v], jnp.float32)
    pltpu.sync_copy(xferbuf, sh_part.at[sid])
    plsc.subcore_barrier()

    @pl.when(half == 0)
    def _merge_and_finish():
        pltpu.sync_copy(sh_part.at[sid + 1], prtbuf)
        for v in range(NV):
            od = prtbuf[pl.ds(v * L, L)]
            op = plsc.bitcast(prtbuf[pl.ds(T + v * L, L)], jnp.int32)
            m = od < bd[v]
            mbd = jnp.where(m, od, bd[v])
            mbp = jnp.where(m, op, bp[v])
            p1 = mbp + 1
            ax = plsc.load_gather(roadbuf, [mbp])
            ay = plsc.load_gather(roadbuf, [mbp + NPTS])
            az = plsc.load_gather(roadbuf, [mbp + 2 * NPTS])
            bx = plsc.load_gather(roadbuf, [p1])
            by = plsc.load_gather(roadbuf, [p1 + NPTS])
            bz = plsc.load_gather(roadbuf, [p1 + 2 * NPTS])
            del mbd
            dx = bx - ax
            dy = by - ay
            dz = bz - az
            dd = dx * dx + dy * dy + dz * dz
            rdd = 1.0 / jnp.maximum(dd, 1e-12)
            u = (px[v] - ax) * dx + (py[v] - ay) * dy + (pz[v] - az) * dz
            t = jnp.clip(u * rdd, 0.0, 1.0)
            outbuf[pl.ds(v * L, L)] = ax + t * dx
            outbuf[pl.ds(T + v * L, L)] = ay + t * dy
            outbuf[pl.ds(2 * T + v * L, L)] = az + t * dz
        pltpu.sync_copy(outbuf, out_hbm.at[n])


TC_B = 4


def _tc_body(road_ref, pos_ref, out_ref):
    lanes = lax.broadcasted_iota(jnp.int32, (1, NPTS), 1)
    block_end = (lanes & (NP - 1)) == (NP - 1)
    for b in range(TC_B):
        axr = road_ref[b, 0:1, :]
        ayr = road_ref[b, 1:2, :]
        azr = road_ref[b, 2:3, :]
        bxr = jnp.where(block_end, axr, jnp.roll(axr, -1, axis=1))
        byr = jnp.where(block_end, ayr, jnp.roll(ayr, -1, axis=1))
        bzr = jnp.where(block_end, azr, jnp.roll(azr, -1, axis=1))
        dx = bxr - axr
        dy = byr - ayr
        dz = bzr - azr
        dd = dx * dx + dy * dy + dz * dz
        rdd = 1.0 / jnp.maximum(dd, 1e-12)
        px = pos_ref[b, 0]
        py = pos_ref[b, 1]
        pz = pos_ref[b, 2]
        u = (px - axr) * dx + (py - ayr) * dy + (pz - azr) * dz
        t = jnp.clip(u * rdd, 0.0, 1.0)
        qxa = axr + t * dx
        qya = ayr + t * dy
        qza = azr + t * dz
        ex = px - qxa
        ey = py - qya
        ez = pz - qza
        d2 = ex * ex + ey * ey + ez * ez
        dmin = jnp.min(d2, axis=1, keepdims=True)
        bidx = jnp.min(jnp.where(d2 == dmin, lanes, NPTS), axis=1,
                       keepdims=True)
        onehot = lanes == bidx
        qx = jnp.sum(jnp.where(onehot, qxa, 0.0), axis=1, keepdims=True)
        qy = jnp.sum(jnp.where(onehot, qya, 0.0), axis=1, keepdims=True)
        qz = jnp.sum(jnp.where(onehot, qza, 0.0), axis=1, keepdims=True)
        out_ref[b, 0] = qx
        out_ref[b, 1] = qy
        out_ref[b, 2] = qz


@jax.jit
def kernel(selected_traj, road_points, road_mask):
    del road_mask
    pos = selected_traj[..., 0:3]
    rest = selected_traj[..., 3:]
    pos_soa = pos.transpose(0, 2, 1)
    road_soa = road_points.transpose(0, 3, 1, 2).reshape(N, 3, NPTS)

    sc_call = pl.kernel(
        _sc_body,
        out_type=jax.ShapeDtypeStruct((N_SC, POS_W), jnp.float32),
        mesh=plsc.VectorSubcoreMesh(core_axis_name="c", subcore_axis_name="s"),
        scratch_types=[
            pltpu.VMEM((ROAD_W,), jnp.float32),
            pltpu.VMEM((POS_W,), jnp.float32),
            pltpu.VMEM((POS_W,), jnp.float32),
            pltpu.VMEM((2 * T,), jnp.float32),
            pltpu.VMEM((2 * T,), jnp.float32),
            pltpu.VMEM_SHARED((16, 2 * T), jnp.float32),
        ],
        compiler_params=pltpu.CompilerParams(needs_layout_passes=False),
    )
    out_sc = sc_call(road_soa[:N_SC].reshape(N_SC, ROAD_W),
                     pos_soa[:N_SC].reshape(N_SC, POS_W))

    out_tc = pl.pallas_call(
        _tc_body,
        out_shape=jax.ShapeDtypeStruct((N_TC, 3, T, 1), jnp.float32),
        grid=(N_TC // TC_B,),
        in_specs=[
            pl.BlockSpec((TC_B, 3, NPTS), lambda i: (i, 0, 0)),
            pl.BlockSpec((TC_B, 3, T, 1), lambda i: (i, 0, 0, 0)),
        ],
        out_specs=pl.BlockSpec((TC_B, 3, T, 1), lambda i: (i, 0, 0, 0)),
    )(road_soa[N_SC:], pos_soa[N_SC:].reshape(N_TC, 3, T, 1))

    pos_out = jnp.concatenate(
        [out_sc.reshape(N_SC, 3, T), out_tc.reshape(N_TC, 3, T)], axis=0)
    pos_out = pos_out.transpose(0, 2, 1)
    return jnp.concatenate([pos_out, rest], axis=-1)

# --- scband reference (transcript-rebuilt; emitter-appended) ---
"""Pipeline reference for scband-constraint-optimizer-77841987273011 (READ-ONLY COPY).

The authoritative reference and input builder live on the scoring server;
editing this copy changes nothing except your own understanding.
"""

import jax, jax.numpy as jnp
import numpy as np


def setup_inputs(seed: int = 0) -> dict:
    key = jax.random.key(seed)
    k1, k2 = jax.random.split(key)
    selected_traj = jax.random.normal(k1, (64, 64, 7), dtype=jnp.float32)
    road_points = jax.random.normal(k2, (64, 32, 64, 3), dtype=jnp.float32) * 10.0
    road_mask = jnp.ones((64, 32, 64), dtype=bool)
    return {"selected_traj": selected_traj, "road_points": road_points, "road_mask": road_mask}


def reference(selected_traj, road_points, road_mask):
    # ConstraintOptimizer(enable=True, module_type='road_projection')
    pos = selected_traj[..., 0:3]
    rest = selected_traj[..., 3:]
    N, NB, NP, D = road_points.shape
    T = pos.shape[1]
    NS = NB * (NP - 1)
    a = road_points[:, :, :-1, :].reshape(N, NS, D).astype(pos.dtype)
    b = road_points[:, :, 1:, :].reshape(N, NS, D).astype(pos.dtype)
    seg_mask = (road_mask[:, :, :-1] & road_mask[:, :, 1:]).reshape(N, NS)
    # point-to-segment projection over all (traj point, segment) pairs
    p = pos[:, :, None, :]            # [N, T, 1, 3]
    a_ = a[:, None, :, :]             # [N, 1, NS, 3]
    b_ = b[:, None, :, :]
    d_ = b_ - a_
    dd = jnp.clip((d_ * d_).sum(axis=-1), 1e-12, None)
    t_param = ((p - a_) * d_).sum(axis=-1) / dd
    t_param = jnp.clip(t_param, 0.0, 1.0)
    q = a_ + t_param[..., None] * d_          # [N, T, NS, 3]
    diff = p - q
    dist2 = (diff * diff).sum(axis=-1)        # [N, T, NS]
    dist2 = jnp.where(seg_mask[:, None, :], dist2, jnp.inf)
    best_idx = jnp.argmin(dist2, axis=-1)     # [N, T]
    idx = jnp.broadcast_to(best_idx[:, :, None, None], (N, T, 1, 3))
    q_best = jnp.take_along_axis(q, idx, axis=2)[:, :, 0, :]
    has_valid = seg_mask.any(axis=1)          # [N]
    pos_out = jnp.where(has_valid[:, None, None], q_best, pos)
    return jnp.concatenate([pos_out, rest], axis=-1)

if __name__ == "__main__":
    import jax
    _d = setup_inputs()
    print(jax.jit(kernel)(*tuple(_d.values())))

</pallas_src>

<mosaic_0001>
#map = affine_map<(d0, d1) -> (0, 0)>
module attributes {stable_mosaic.version = 14 : i64} {
  func.func @_sc_body(%arg0: i32, %arg1: i32, %arg2: memref<16x6144xf32, #tpu.memory_space<hbm>>, %arg3: memref<16x192xf32, #tpu.memory_space<hbm>>, %arg4: memref<16x192xf32, #tpu.memory_space<hbm>>, %arg5: memref<6144xf32, #tpu.memory_space<vmem>>, %arg6: memref<192xf32, #tpu.memory_space<vmem>>, %arg7: memref<192xf32, #tpu.memory_space<vmem>>, %arg8: memref<128xf32, #tpu.memory_space<vmem>>, %arg9: memref<128xf32, #tpu.memory_space<vmem>>, %arg10: memref<16x128xf32, #tpu.memory_space<vmem_shared>>) attributes {dimension_semantics = [#tpu.dimension_semantics<core_parallel>, #tpu.dimension_semantics<subcore_parallel>], iteration_bounds = array<i64: 2, 16>, scalar_prefetch = 0 : i64, scratch_operands = 6 : i64, tpu.core_type = #tpu.core_type<sc_vector_subcore>, window_params = [{transform_indices = #map}, {transform_indices = #map}, {transform_indices = #map}]} {
    %mul3A = arith.constant 16 : i32
    %mul3A_0 = arith.muli %arg0, %mul3A : i32
    %add3A = arith.addi %mul3A_0, %arg1 : i32
    %mul3A_1 = arith.constant 8 : i32
    %mul3A_2 = arith.muli %arg0, %mul3A_1 : i32
    %jit3A = arith.constant 2 : i32
    %div3A = arith.divsi %arg1, %jit3A : i32
    %sign3A = arith.constant 0 : i32
    %sign3A_3 = arith.cmpi sgt, %arg1, %sign3A : i32
    %sign3A_4 = arith.extui %sign3A_3 : i1 to i32
    %sign3A_5 = arith.constant 0 : i32
    %sign3A_6 = arith.cmpi slt, %arg1, %sign3A_5 : i32
    %sign3A_7 = arith.extui %sign3A_6 : i1 to i32
    %sign3A_8 = arith.subi %sign3A_4, %sign3A_7 : i32
    %sign3A_9 = arith.constant 0 : i32
    %sign3A_10 = arith.cmpi sgt, %jit3A, %sign3A_9 : i32
    %sign3A_11 = arith.extui %sign3A_10 : i1 to i32
    %sign3A_12 = arith.constant 0 : i32
    %sign3A_13 = arith.cmpi slt, %jit3A, %sign3A_12 : i32
    %sign3A_14 = arith.extui %sign3A_13 : i1 to i32
    %sign3A_15 = arith.subi %sign3A_11, %sign3A_14 : i32
    %ne3A = arith.cmpi ne, %sign3A_8, %sign3A_15 : i32
    %rem3A = arith.remsi %arg1, %jit3A : i32
    %ne3A_16 = arith.constant 0 : i32
    %ne3A_17 = arith.cmpi ne, %rem3A, %ne3A_16 : i32
    %and3A = arith.andi %ne3A, %ne3A_17 : i1
    %sub3A = arith.constant 1 : i32
    %sub3A_18 = arith.subi %div3A, %sub3A : i32
    %select_n3A = arith.select %and3A, %sub3A_18, %div3A : i32
    %add3A_19 = arith.addi %mul3A_2, %select_n3A : i32
    %jit3A_20 = arith.constant 2 : i32
    %eq3A = arith.constant 0 : i32
    %eq3A_21 = arith.cmpi eq, %jit3A_20, %eq3A : i32
    %jit3A_22 = arith.constant 1 : i32
    %select_n3A_23 = arith.select %eq3A_21, %jit3A_22, %jit3A_20 : i32
    %rem3A_24 = arith.remsi %arg1, %select_n3A_23 : i32
    %ne3A_25 = arith.constant 0 : i32
    %ne3A_26 = arith.cmpi ne, %rem3A_24, %ne3A_25 : i32
    %lt3A = arith.constant 0 : i32
    %lt3A_27 = arith.cmpi slt, %rem3A_24, %lt3A : i32
    %lt3A_28 = arith.constant 0 : i32
    %lt3A_29 = arith.cmpi slt, %select_n3A_23, %lt3A_28 : i32
    %ne3A_30 = arith.xori %lt3A_27, %lt3A_29 : i1
    %and3A_31 = arith.andi %ne3A_30, %ne3A_26 : i1
    %add3A_32 = arith.addi %rem3A_24, %select_n3A_23 : i32
    %select_n3A_33 = arith.select %and3A_31, %add3A_32, %rem3A_24 : i32
    "tpu.region"() ({
      %run_scoped3A = tpu.sem_alloc : memref<!tpu.dma_semaphore, #tpu.memory_space<semaphore_mem>>
      %dma_start3A = arith.constant 0 : i32
      %dma_start3A_106 = tpu.memref_slice %arg2[%add3A_19, %dma_start3A] : memref<16x6144xf32, #tpu.memory_space<hbm>> -> memref<1x6144xf32, #tpu.memory_space<hbm>>
      %dma_start3A_107 = tpu.memref_squeeze %dma_start3A_106 : memref<1x6144xf32, #tpu.memory_space<hbm>> -> memref<6144xf32, #tpu.memory_space<hbm>>
      %dma_start3A_108 = arith.constant 0 : i32
      %dma_start3A_109 = tpu.memref_slice %arg2[%add3A_19, %dma_start3A_108] : memref<16x6144xf32, #tpu.memory_space<hbm>> -> memref<1x6144xf32, #tpu.memory_space<hbm>>
      %dma_start3A_110 = tpu.memref_squeeze %dma_start3A_109 : memref<1x6144xf32, #tpu.memory_space<hbm>> -> memref<6144xf32, #tpu.memory_space<hbm>>
      tpu.enqueue_dma source(%dma_start3A_110 : memref<6144xf32, #tpu.memory_space<hbm>>) target(%arg5 : memref<6144xf32, #tpu.memory_space<vmem>>) target_semaphore(%run_scoped3A : memref<!tpu.dma_semaphore, #tpu.memory_space<semaphore_mem>>)
      %dma_wait3A = arith.constant 0 : i32
      %dma_wait3A_111 = tpu.memref_slice %arg2[%add3A_19, %dma_wait3A] : memref<16x6144xf32, #tpu.memory_space<hbm>> -> memref<1x6144xf32, #tpu.memory_space<hbm>>
      %dma_wait3A_112 = tpu.memref_squeeze %dma_wait3A_111 : memref<1x6144xf32, #tpu.memory_space<hbm>> -> memref<6144xf32, #tpu.memory_space<hbm>>
      %dma_wait3A_113 = arith.constant 0 : i32
      %dma_wait3A_114 = tpu.memref_slice %arg2[%add3A_19, %dma_wait3A_113] : memref<16x6144xf32, #tpu.memory_space<hbm>> -> memref<1x6144xf32, #tpu.memory_space<hbm>>
      %dma_wait3A_115 = tpu.memref_squeeze %dma_wait3A_114 : memref<1x6144xf32, #tpu.memory_space<hbm>> -> memref<6144xf32, #tpu.memory_space<hbm>>
      tpu.wait_dma2 semaphore(%run_scoped3A : memref<!tpu.dma_semaphore, #tpu.memory_space<semaphore_mem>>) src(%dma_wait3A_115 : memref<6144xf32, #tpu.memory_space<hbm>>) dst(%arg5 : memref<6144xf32, #tpu.memory_space<vmem>>)
      tpu.yield
    }) : () -> ()
    "tpu.region"() ({
      %run_scoped3A = tpu.sem_alloc : memref<!tpu.dma_semaphore, #tpu.memory_space<semaphore_mem>>
      %dma_start3A = arith.constant 0 : i32
      %dma_start3A_106 = tpu.memref_slice %arg3[%add3A_19, %dma_start3A] : memref<16x192xf32, #tpu.memory_space<hbm>> -> memref<1x192xf32, #tpu.memory_space<hbm>>
      %dma_start3A_107 = tpu.memref_squeeze %dma_start3A_106 : memref<1x192xf32, #tpu.memory_space<hbm>> -> memref<192xf32, #tpu.memory_space<hbm>>
      %dma_start3A_108 = arith.constant 0 : i32
      %dma_start3A_109 = tpu.memref_slice %arg3[%add3A_19, %dma_start3A_108] : memref<16x192xf32, #tpu.memory_space<hbm>> -> memref<1x192xf32, #tpu.memory_space<hbm>>
      %dma_start3A_110 = tpu.memref_squeeze %dma_start3A_109 : memref<1x192xf32, #tpu.memory_space<hbm>> -> memref<192xf32, #tpu.memory_space<hbm>>
      tpu.enqueue_dma source(%dma_start3A_110 : memref<192xf32, #tpu.memory_space<hbm>>) target(%arg6 : memref<192xf32, #tpu.memory_space<vmem>>) target_semaphore(%run_scoped3A : memref<!tpu.dma_semaphore, #tpu.memory_space<semaphore_mem>>)
      %dma_wait3A = arith.constant 0 : i32
      %dma_wait3A_111 = tpu.memref_slice %arg3[%add3A_19, %dma_wait3A] : memref<16x192xf32, #tpu.memory_space<hbm>> -> memref<1x192xf32, #tpu.memory_space<hbm>>
      %dma_wait3A_112 = tpu.memref_squeeze %dma_wait3A_111 : memref<1x192xf32, #tpu.memory_space<hbm>> -> memref<192xf32, #tpu.memory_space<hbm>>
      %dma_wait3A_113 = arith.constant 0 : i32
      %dma_wait3A_114 = tpu.memref_slice %arg3[%add3A_19, %dma_wait3A_113] : memref<16x192xf32, #tpu.memory_space<hbm>> -> memref<1x192xf32, #tpu.memory_space<hbm>>
      %dma_wait3A_115 = tpu.memref_squeeze %dma_wait3A_114 : memref<1x192xf32, #tpu.memory_space<hbm>> -> memref<192xf32, #tpu.memory_space<hbm>>
      tpu.wait_dma2 semaphore(%run_scoped3A : memref<!tpu.dma_semaphore, #tpu.memory_space<semaphore_mem>>) src(%dma_wait3A_115 : memref<192xf32, #tpu.memory_space<hbm>>) dst(%arg6 : memref<192xf32, #tpu.memory_space<vmem>>)
      tpu.yield
    }) : () -> ()
    %get3A = arith.constant 0 : index
    %get3A_34 = tpu.vector_load %arg6[%get3A] {strides = array<i32>} : memref<192xf32, #tpu.memory_space<vmem>>, vector<16xf32>,
    %get3A_35 = arith.constant 16 : index
    %get3A_36 = tpu.vector_load %arg6[%get3A_35] {strides = array<i32>} : memref<192xf32, #tpu.memory_space<vmem>>, vector<16xf32>,
    %get3A_37 = arith.constant 32 : index
    %get3A_38 = tpu.vector_load %arg6[%get3A_37] {strides = array<i32>} : memref<192xf32, #tpu.memory_space<vmem>>, vector<16xf32>,
    %get3A_39 = arith.constant 48 : index
    %get3A_40 = tpu.vector_load %arg6[%get3A_39] {strides = array<i32>} : memref<192xf32, #tpu.memory_space<vmem>>, vector<16xf32>,
    %get3A_41 = arith.constant 64 : index
    %get3A_42 = tpu.vector_load %arg6[%get3A_41] {strides = array<i32>} : memref<192xf32, #tpu.memory_space<vmem>>, vector<16xf32>,
    %get3A_43 = arith.constant 80 : index
    %get3A_44 = tpu.vector_load %arg6[%get3A_43] {strides = array<i32>} : memref<192xf32, #tpu.memory_space<vmem>>, vector<16xf32>,
    %get3A_45 = arith.constant 96 : index
    %get3A_46 = tpu.vector_load %arg6[%get3A_45] {strides = array<i32>} : memref<192xf32, #tpu.memory_space<vmem>>, vector<16xf32>,
    %get3A_47 = arith.constant 112 : index
    %get3A_48 = tpu.vector_load %arg6[%get3A_47] {strides = array<i32>} : memref<192xf32, #tpu.memory_space<vmem>>, vector<16xf32>,
    %get3A_49 = arith.constant 128 : index
    %get3A_50 = tpu.vector_load %arg6[%get3A_49] {strides = array<i32>} : memref<192xf32, #tpu.memory_space<vmem>>, vector<16xf32>,
    %get3A_51 = arith.constant 144 : index
    %get3A_52 = tpu.vector_load %arg6[%get3A_51] {strides = array<i32>} : memref<192xf32, #tpu.memory_space<vmem>>, vector<16xf32>,
    %get3A_53 = arith.constant 160 : index
    %get3A_54 = tpu.vector_load %arg6[%get3A_53] {strides = array<i32>} : memref<192xf32, #tpu.memory_space<vmem>>, vector<16xf32>,
    %get3A_55 = arith.constant 176 : index
    %get3A_56 = tpu.vector_load %arg6[%get3A_55] {strides = array<i32>} : memref<192xf32, #tpu.memory_space<vmem>>, vector<16xf32>,
    %broadcast_in_dim3A = arith.constant 1 : i32
    %broadcast_in_dim3A_57 = vector.broadcast %broadcast_in_dim3A : i32 to vector<16xi32>
    %mul3A_58 = arith.constant 16 : i32
    %mul3A_59 = arith.muli %select_n3A_33, %mul3A_58 : i32
    %mul3A_60 = arith.constant 64 : i32
    %mul3A_61 = arith.muli %mul3A_59, %mul3A_60 : i32
    %mul3A_62 = vector.broadcast %mul3A_61 : i32 to vector<16xi32>
    %mul3A_63 = arith.muli %broadcast_in_dim3A_57, %mul3A_62 : vector<16xi32>
    %broadcast_in_dim3A_64 = arith.constant 0x7F800000 : f32
    %broadcast_in_dim3A_65 = vector.broadcast %broadcast_in_dim3A_64 : f32 to vector<16xf32>
    %broadcast_in_dim3A_66 = arith.constant 0x7F800000 : f32
    %broadcast_in_dim3A_67 = vector.broadcast %broadcast_in_dim3A_66 : f32 to vector<16xf32>
    %broadcast_in_dim3A_68 = arith.constant 0x7F800000 : f32
    %broadcast_in_dim3A_69 = vector.broadcast %broadcast_in_dim3A_68 : f32 to vector<16xf32>
    %broadcast_in_dim3A_70 = arith.constant 0x7F800000 : f32
    %broadcast_in_dim3A_71 = vector.broadcast %broadcast_in_dim3A_70 : f32 to vector<16xf32>
    %broadcast_in_dim3A_72 = arith.constant 0 : i32
    %broadcast_in_dim3A_73 = vector.broadcast %broadcast_in_dim3A_72 : i32 to vector<16xi32>
    %broadcast_in_dim3A_74 = arith.constant 0 : i32
    %broadcast_in_dim3A_75 = vector.broadcast %broadcast_in_dim3A_74 : i32 to vector<16xi32>
    %broadcast_in_dim3A_76 = arith.constant 0 : i32
    %broadcast_in_dim3A_77 = vector.broadcast %broadcast_in_dim3A_76 : i32 to vector<16xi32>
    %broadcast_in_dim3A_78 = arith.constant 0 : i32
    %broadcast_in_dim3A_79 = vector.broadcast %broadcast_in_dim3A_78 : i32 to vector<16xi32>
    %scan3A = arith.constant 0 : i32
    %scan3A_80 = arith.constant 16 : i32
    %scan3A_81 = arith.addi %scan3A, %scan3A_80 : i32
    %scan3A_82 = arith.constant 1 : i32
    %scan3A_83:9 = scf.for %scan3A_106 = %scan3A to %scan3A_81 step %scan3A_82 iter_args(%scan3A_107 = %mul3A_63, %scan3A_108 = %broadcast_in_dim3A_65, %scan3A_109 = %broadcast_in_dim3A_67, %scan3A_110 = %broadcast_in_dim3A_69, %scan3A_111 = %broadcast_in_dim3A_71, %scan3A_112 = %broadcast_in_dim3A_73, %scan3A_113 = %broadcast_in_dim3A_75, %scan3A_114 = %broadcast_in_dim3A_77, %scan3A_115 = %broadcast_in_dim3A_79) -> (vector<16xi32>, vector<16xf32>, vector<16xf32>, vector<16xf32>, vector<16xf32>, vector<16xi32>, vector<16xi32>, vector<16xi32>, vector<16xi32>)  : i32 {
      %gather3A = tpu.vector_load_idx %arg5[%scan3A_107] : memref<6144xf32, #tpu.memory_space<vmem>>[vector<16xi32>], vector<16xf32>,
      %add3A_116 = arith.constant 2048 : i32
      %add3A_117 = vector.broadcast %add3A_116 : i32 to vector<16xi32>
      %add3A_118 = arith.addi %scan3A_107, %add3A_117 : vector<16xi32>
      %gather3A_119 = tpu.vector_load_idx %arg5[%add3A_118] : memref<6144xf32, #tpu.memory_space<vmem>>[vector<16xi32>], vector<16xf32>,
      %add3A_120 = arith.constant 4096 : i32
      %add3A_121 = vector.broadcast %add3A_120 : i32 to vector<16xi32>
      %add3A_122 = arith.addi %scan3A_107, %add3A_121 : vector<16xi32>
      %gather3A_123 = tpu.vector_load_idx %arg5[%add3A_122] : memref<6144xf32, #tpu.memory_space<vmem>>[vector<16xi32>], vector<16xf32>,
      %scan3A_124 = arith.constant 0 : i32
      %scan3A_125 = arith.constant 63 : i32
      %scan3A_126 = arith.addi %scan3A_124, %scan3A_125 : i32
      %scan3A_127 = arith.constant 1 : i32
      %scan3A_128:12 = scf.for %scan3A_133 = %scan3A_124 to %scan3A_126 step %scan3A_127 iter_args(%scan3A_134 = %scan3A_107, %scan3A_135 = %gather3A, %scan3A_136 = %gather3A_119, %scan3A_137 = %gather3A_123, %scan3A_138 = %scan3A_108, %scan3A_139 = %scan3A_109, %scan3A_140 = %scan3A_110, %scan3A_141 = %scan3A_111, %scan3A_142 = %scan3A_112, %scan3A_143 = %scan3A_113, %scan3A_144 = %scan3A_114, %scan3A_145 = %scan3A_115) -> (vector<16xi32>, vector<16xf32>, vector<16xf32>, vector<16xf32>, vector<16xf32>, vector<16xf32>, vector<16xf32>, vector<16xf32>, vector<16xi32>, vector<16xi32>, vector<16xi32>, vector<16xi32>)  : i32 {
        %add3A_146 = arith.constant 1 : i32
        %add3A_147 = vector.broadcast %add3A_146 : i32 to vector<16xi32>
        %add3A_148 = arith.addi %scan3A_134, %add3A_147 : vector<16xi32>
        %gather3A_149 = tpu.vector_load_idx %arg5[%add3A_148] : memref<6144xf32, #tpu.memory_space<vmem>>[vector<16xi32>], vector<16xf32>,
        %add3A_150 = arith.constant 2048 : i32
        %add3A_151 = vector.broadcast %add3A_150 : i32 to vector<16xi32>
        %add3A_152 = arith.addi %add3A_148, %add3A_151 : vector<16xi32>
        %gather3A_153 = tpu.vector_load_idx %arg5[%add3A_152] : memref<6144xf32, #tpu.memory_space<vmem>>[vector<16xi32>], vector<16xf32>,
        %add3A_154 = arith.constant 4096 : i32
        %add3A_155 = vector.broadcast %add3A_154 : i32 to vector<16xi32>
        %add3A_156 = arith.addi %add3A_148, %add3A_155 : vector<16xi32>
        %gather3A_157 = tpu.vector_load_idx %arg5[%add3A_156] : memref<6144xf32, #tpu.memory_space<vmem>>[vector<16xi32>], vector<16xf32>,
        %sub3A_158 = arith.subf %gather3A_149, %scan3A_135 : vector<16xf32>
        %sub3A_159 = arith.subf %gather3A_153, %scan3A_136 : vector<16xf32>
        %sub3A_160 = arith.subf %gather3A_157, %scan3A_137 : vector<16xf32>
        %mul3A_161 = arith.mulf %sub3A_158, %sub3A_158 : vector<16xf32>
        %mul3A_162 = arith.mulf %sub3A_159, %sub3A_159 : vector<16xf32>
        %add3A_163 = arith.addf %mul3A_161, %mul3A_162 : vector<16xf32>
        %mul3A_164 = arith.mulf %sub3A_160, %sub3A_160 : vector<16xf32>
        %add3A_165 = arith.addf %add3A_163, %mul3A_164 : vector<16xf32>
        %max3A = arith.constant 9.99999996E-13 : f32
        %max3A_166 = vector.broadcast %max3A : f32 to vector<16xf32>
        %max3A_167 = arith.maximumf %add3A_165, %max3A_166 : vector<16xf32>
        %div3A_168 = arith.constant 1.000000e+00 : f32
        %div3A_169 = vector.broadcast %div3A_168 : f32 to vector<16xf32>
        %div3A_170 = arith.divf %div3A_169, %max3A_167 : vector<16xf32>
        %sub3A_171 = arith.subf %get3A_34, %scan3A_135 : vector<16xf32>
        %sub3A_172 = arith.subf %get3A_42, %scan3A_136 : vector<16xf32>
        %sub3A_173 = arith.subf %get3A_50, %scan3A_137 : vector<16xf32>
        %mul3A_174 = arith.mulf %sub3A_171, %sub3A_158 : vector<16xf32>
        %mul3A_175 = arith.mulf %sub3A_172, %sub3A_159 : vector<16xf32>
        %add3A_176 = arith.addf %mul3A_174, %mul3A_175 : vector<16xf32>
        %mul3A_177 = arith.mulf %sub3A_173, %sub3A_160 : vector<16xf32>
        %add3A_178 = arith.addf %add3A_176, %mul3A_177 : vector<16xf32>
        %mul3A_179 = arith.mulf %add3A_178, %div3A_170 : vector<16xf32>
        %jit3A_180 = arith.constant 0.000000e+00 : f32
        %jit3A_181 = arith.constant 1.000000e+00 : f32
        %max3A_182 = vector.broadcast %jit3A_180 : f32 to vector<16xf32>
        %max3A_183 = arith.maximumf %max3A_182, %mul3A_179 : vector<16xf32>
        %min3A = vector.broadcast %jit3A_181 : f32 to vector<16xf32>
        %min3A_184 = arith.minimumf %min3A, %max3A_183 : vector<16xf32>
        %mul3A_185 = arith.mulf %min3A_184, %sub3A_158 : vector<16xf32>
        %sub3A_186 = arith.subf %sub3A_171, %mul3A_185 : vector<16xf32>
        %mul3A_187 = arith.mulf %min3A_184, %sub3A_159 : vector<16xf32>
        %sub3A_188 = arith.subf %sub3A_172, %mul3A_187 : vector<16xf32>
        %mul3A_189 = arith.mulf %min3A_184, %sub3A_160 : vector<16xf32>
        %sub3A_190 = arith.subf %sub3A_173, %mul3A_189 : vector<16xf32>
        %mul3A_191 = arith.mulf %sub3A_186, %sub3A_186 : vector<16xf32>
        %mul3A_192 = arith.mulf %sub3A_188, %sub3A_188 : vector<16xf32>
        %add3A_193 = arith.addf %mul3A_191, %mul3A_192 : vector<16xf32>
        %mul3A_194 = arith.mulf %sub3A_190, %sub3A_190 : vector<16xf32>
        %add3A_195 = arith.addf %add3A_193, %mul3A_194 : vector<16xf32>
        %lt3A_196 = arith.cmpf olt, %add3A_195, %scan3A_138 : vector<16xf32>
        %select_n3A_197 = arith.select %lt3A_196, %add3A_195, %scan3A_138 : vector<16xi1>, vector<16xf32>
        %select_n3A_198 = arith.select %lt3A_196, %scan3A_134, %scan3A_142 : vector<16xi1>, vector<16xi32>
        %sub3A_199 = arith.subf %get3A_36, %scan3A_135 : vector<16xf32>
        %sub3A_200 = arith.subf %get3A_44, %scan3A_136 : vector<16xf32>
        %sub3A_201 = arith.subf %get3A_52, %scan3A_137 : vector<16xf32>
        %mul3A_202 = arith.mulf %sub3A_199, %sub3A_158 : vector<16xf32>
        %mul3A_203 = arith.mulf %sub3A_200, %sub3A_159 : vector<16xf32>
        %add3A_204 = arith.addf %mul3A_202, %mul3A_203 : vector<16xf32>
        %mul3A_205 = arith.mulf %sub3A_201, %sub3A_160 : vector<16xf32>
        %add3A_206 = arith.addf %add3A_204, %mul3A_205 : vector<16xf32>
        %mul3A_207 = arith.mulf %add3A_206, %div3A_170 : vector<16xf32>
        %jit3A_208 = arith.constant 0.000000e+00 : f32
        %jit3A_209 = arith.constant 1.000000e+00 : f32
        %max3A_210 = vector.broadcast %jit3A_208 : f32 to vector<16xf32>
        %max3A_211 = arith.maximumf %max3A_210, %mul3A_207 : vector<16xf32>
        %min3A_212 = vector.broadcast %jit3A_209 : f32 to vector<16xf32>
        %min3A_213 = arith.minimumf %min3A_212, %max3A_211 : vector<16xf32>
        %mul3A_214 = arith.mulf %min3A_213, %sub3A_158 : vector<16xf32>
        %sub3A_215 = arith.subf %sub3A_199, %mul3A_214 : vector<16xf32>
        %mul3A_216 = arith.mulf %min3A_213, %sub3A_159 : vector<16xf32>
        %sub3A_217 = arith.subf %sub3A_200, %mul3A_216 : vector<16xf32>
        %mul3A_218 = arith.mulf %min3A_213, %sub3A_160 : vector<16xf32>
        %sub3A_219 = arith.subf %sub3A_201, %mul3A_218 : vector<16xf32>
        %mul3A_220 = arith.mulf %sub3A_215, %sub3A_215 : vector<16xf32>
        %mul3A_221 = arith.mulf %sub3A_217, %sub3A_217 : vector<16xf32>
        %add3A_222 = arith.addf %mul3A_220, %mul3A_221 : vector<16xf32>
        %mul3A_223 = arith.mulf %sub3A_219, %sub3A_219 : vector<16xf32>
        %add3A_224 = arith.addf %add3A_222, %mul3A_223 : vector<16xf32>
        %lt3A_225 = arith.cmpf olt, %add3A_224, %scan3A_139 : vector<16xf32>
        %select_n3A_226 = arith.select %lt3A_225, %add3A_224, %scan3A_139 : vector<16xi1>, vector<16xf32>
        %select_n3A_227 = arith.select %lt3A_225, %scan3A_134, %scan3A_143 : vector<16xi1>, vector<16xi32>
        %sub3A_228 = arith.subf %get3A_38, %scan3A_135 : vector<16xf32>
        %sub3A_229 = arith.subf %get3A_46, %scan3A_136 : vector<16xf32>
        %sub3A_230 = arith.subf %get3A_54, %scan3A_137 : vector<16xf32>
        %mul3A_231 = arith.mulf %sub3A_228, %sub3A_158 : vector<16xf32>
        %mul3A_232 = arith.mulf %sub3A_229, %sub3A_159 : vector<16xf32>
        %add3A_233 = arith.addf %mul3A_231, %mul3A_232 : vector<16xf32>
        %mul3A_234 = arith.mulf %sub3A_230, %sub3A_160 : vector<16xf32>
        %add3A_235 = arith.addf %add3A_233, %mul3A_234 : vector<16xf32>
        %mul3A_236 = arith.mulf %add3A_235, %div3A_170 : vector<16xf32>
        %jit3A_237 = arith.constant 0.000000e+00 : f32
        %jit3A_238 = arith.constant 1.000000e+00 : f32
        %max3A_239 = vector.broadcast %jit3A_237 : f32 to vector<16xf32>
        %max3A_240 = arith.maximumf %max3A_239, %mul3A_236 : vector<16xf32>
        %min3A_241 = vector.broadcast %jit3A_238 : f32 to vector<16xf32>
        %min3A_242 = arith.minimumf %min3A_241, %max3A_240 : vector<16xf32>
        %mul3A_243 = arith.mulf %min3A_242, %sub3A_158 : vector<16xf32>
        %sub3A_244 = arith.subf %sub3A_228, %mul3A_243 : vector<16xf32>
        %mul3A_245 = arith.mulf %min3A_242, %sub3A_159 : vector<16xf32>
        %sub3A_246 = arith.subf %sub3A_229, %mul3A_245 : vector<16xf32>
        %mul3A_247 = arith.mulf %min3A_242, %sub3A_160 : vector<16xf32>
        %sub3A_248 = arith.subf %sub3A_230, %mul3A_247 : vector<16xf32>
        %mul3A_249 = arith.mulf %sub3A_244, %sub3A_244 : vector<16xf32>
        %mul3A_250 = arith.mulf %sub3A_246, %sub3A_246 : vector<16xf32>
        %add3A_251 = arith.addf %mul3A_249, %mul3A_250 : vector<16xf32>
        %mul3A_252 = arith.mulf %sub3A_248, %sub3A_248 : vector<16xf32>
        %add3A_253 = arith.addf %add3A_251, %mul3A_252 : vector<16xf32>
        %lt3A_254 = arith.cmpf olt, %add3A_253, %scan3A_140 : vector<16xf32>
        %select_n3A_255 = arith.select %lt3A_254, %add3A_253, %scan3A_140 : vector<16xi1>, vector<16xf32>
        %select_n3A_256 = arith.select %lt3A_254, %scan3A_134, %scan3A_144 : vector<16xi1>, vector<16xi32>
        %sub3A_257 = arith.subf %get3A_40, %scan3A_135 : vector<16xf32>
        %sub3A_258 = arith.subf %get3A_48, %scan3A_136 : vector<16xf32>
        %sub3A_259 = arith.subf %get3A_56, %scan3A_137 : vector<16xf32>
        %mul3A_260 = arith.mulf %sub3A_257, %sub3A_158 : vector<16xf32>
        %mul3A_261 = arith.mulf %sub3A_258, %sub3A_159 : vector<16xf32>
        %add3A_262 = arith.addf %mul3A_260, %mul3A_261 : vector<16xf32>
        %mul3A_263 = arith.mulf %sub3A_259, %sub3A_160 : vector<16xf32>
        %add3A_264 = arith.addf %add3A_262, %mul3A_263 : vector<16xf32>
        %mul3A_265 = arith.mulf %add3A_264, %div3A_170 : vector<16xf32>
        %jit3A_266 = arith.constant 0.000000e+00 : f32
        %jit3A_267 = arith.constant 1.000000e+00 : f32
        %max3A_268 = vector.broadcast %jit3A_266 : f32 to vector<16xf32>
        %max3A_269 = arith.maximumf %max3A_268, %mul3A_265 : vector<16xf32>
        %min3A_270 = vector.broadcast %jit3A_267 : f32 to vector<16xf32>
        %min3A_271 = arith.minimumf %min3A_270, %max3A_269 : vector<16xf32>
        %mul3A_272 = arith.mulf %min3A_271, %sub3A_158 : vector<16xf32>
        %sub3A_273 = arith.subf %sub3A_257, %mul3A_272 : vector<16xf32>
        %mul3A_274 = arith.mulf %min3A_271, %sub3A_159 : vector<16xf32>
        %sub3A_275 = arith.subf %sub3A_258, %mul3A_274 : vector<16xf32>
        %mul3A_276 = arith.mulf %min3A_271, %sub3A_160 : vector<16xf32>
        %sub3A_277 = arith.subf %sub3A_259, %mul3A_276 : vector<16xf32>
        %mul3A_278 = arith.mulf %sub3A_273, %sub3A_273 : vector<16xf32>
        %mul3A_279 = arith.mulf %sub3A_275, %sub3A_275 : vector<16xf32>
        %add3A_280 = arith.addf %mul3A_278, %mul3A_279 : vector<16xf32>
        %mul3A_281 = arith.mulf %sub3A_277, %sub3A_277 : vector<16xf32>
        %add3A_282 = arith.addf %add3A_280, %mul3A_281 : vector<16xf32>
        %lt3A_283 = arith.cmpf olt, %add3A_282, %scan3A_141 : vector<16xf32>
        %select_n3A_284 = arith.select %lt3A_283, %add3A_282, %scan3A_141 : vector<16xi1>, vector<16xf32>
        %select_n3A_285 = arith.select %lt3A_283, %scan3A_134, %scan3A_145 : vector<16xi1>, vector<16xi32>
        scf.yield %add3A_148, %gather3A_149, %gather3A_153, %gather3A_157, %select_n3A_197, %select_n3A_226, %select_n3A_255, %select_n3A_284, %select_n3A_198, %select_n3A_227, %select_n3A_256, %select_n3A_285 : vector<16xi32>, vector<16xf32>, vector<16xf32>, vector<16xf32>, vector<16xf32>, vector<16xf32>, vector<16xf32>, vector<16xf32>, vector<16xi32>, vector<16xi32>, vector<16xi32>, vector<16xi32>
      }
      %scan3A_129 = arith.constant 63 : i32
      %add3A_130 = arith.constant 1 : i32
      %add3A_131 = vector.broadcast %add3A_130 : i32 to vector<16xi32>
      %add3A_132 = arith.addi %scan3A_128#0, %add3A_131 : vector<16xi32>
      scf.yield %add3A_132, %scan3A_128#4, %scan3A_128#5, %scan3A_128#6, %scan3A_128#7, %scan3A_128#8, %scan3A_128#9, %scan3A_128#10, %scan3A_128#11 : vector<16xi32>, vector<16xf32>, vector<16xf32>, vector<16xf32>, vector<16xf32>, vector<16xi32>, vector<16xi32>, vector<16xi32>, vector<16xi32>
    }
    %scan3A_84 = arith.constant 16 : i32
    %swap3A = arith.constant 0 : index
    %swap3A_85 = tpu.vector_load %arg8[%swap3A] {strides = array<i32>} : memref<128xf32, #tpu.memory_space<vmem>>, vector<16xf32>,
    tpu.vector_store %arg8[%swap3A], %scan3A_83#1 {strides = array<i32>} : memref<128xf32, #tpu.memory_space<vmem>>, vector<16xf32>,
    %bitcast3A = vector.bitcast %scan3A_83#5 : vector<16xi32> to vector<16xf32>
    %swap3A_86 = arith.constant 64 : index
    %swap3A_87 = tpu.vector_load %arg8[%swap3A_86] {strides = array<i32>} : memref<128xf32, #tpu.memory_space<vmem>>, vector<16xf32>,
    tpu.vector_store %arg8[%swap3A_86], %bitcast3A {strides = array<i32>} : memref<128xf32, #tpu.memory_space<vmem>>, vector<16xf32>,
    %swap3A_88 = arith.constant 16 : index
    %swap3A_89 = tpu.vector_load %arg8[%swap3A_88] {strides = array<i32>} : memref<128xf32, #tpu.memory_space<vmem>>, vector<16xf32>,
    tpu.vector_store %arg8[%swap3A_88], %scan3A_83#2 {strides = array<i32>} : memref<128xf32, #tpu.memory_space<vmem>>, vector<16xf32>,
    %bitcast3A_90 = vector.bitcast %scan3A_83#6 : vector<16xi32> to vector<16xf32>
    %swap3A_91 = arith.constant 80 : index
    %swap3A_92 = tpu.vector_load %arg8[%swap3A_91] {strides = array<i32>} : memref<128xf32, #tpu.memory_space<vmem>>, vector<16xf32>,
    tpu.vector_store %arg8[%swap3A_91], %bitcast3A_90 {strides = array<i32>} : memref<128xf32, #tpu.memory_space<vmem>>, vector<16xf32>,
    %swap3A_93 = arith.constant 32 : index
    %swap3A_94 = tpu.vector_load %arg8[%swap3A_93] {strides = array<i32>} : memref<128xf32, #tpu.memory_space<vmem>>, vector<16xf32>,
    tpu.vector_store %arg8[%swap3A_93], %scan3A_83#3 {strides = array<i32>} : memref<128xf32, #tpu.memory_space<vmem>>, vector<16xf32>,
    %bitcast3A_95 = vector.bitcast %scan3A_83#7 : vector<16xi32> to vector<16xf32>
    %swap3A_96 = arith.constant 96 : index
    %swap3A_97 = tpu.vector_load %arg8[%swap3A_96] {strides = array<i32>} : memref<128xf32, #tpu.memory_space<vmem>>, vector<16xf32>,
    tpu.vector_store %arg8[%swap3A_96], %bitcast3A_95 {strides = array<i32>} : memref<128xf32, #tpu.memory_space<vmem>>, vector<16xf32>,
    %swap3A_98 = arith.constant 48 : index
    %swap3A_99 = tpu.vector_load %arg8[%swap3A_98] {strides = array<i32>} : memref<128xf32, #tpu.memory_space<vmem>>, vector<16xf32>,
    tpu.vector_store %arg8[%swap3A_98], %scan3A_83#4 {strides = array<i32>} : memref<128xf32, #tpu.memory_space<vmem>>, vector<16xf32>,
    %bitcast3A_100 = vector.bitcast %scan3A_83#8 : vector<16xi32> to vector<16xf32>
    %swap3A_101 = arith.constant 112 : index
    %swap3A_102 = tpu.vector_load %arg8[%swap3A_101] {strides = array<i32>} : memref<128xf32, #tpu.memory_space<vmem>>, vector<16xf32>,
    tpu.vector_store %arg8[%swap3A_101], %bitcast3A_100 {strides = array<i32>} : memref<128xf32, #tpu.memory_space<vmem>>, vector<16xf32>,
    "tpu.region"() ({
      %run_scoped3A = tpu.sem_alloc : memref<!tpu.dma_semaphore, #tpu.memory_space<semaphore_mem>>
      %dma_start3A = arith.constant 0 : i32
      %dma_start3A_106 = tpu.memref_slice %arg10[%arg1, %dma_start3A] : memref<16x128xf32, #tpu.memory_space<vmem_shared>> -> memref<1x128xf32, #tpu.memory_space<vmem_shared>>
      %dma_start3A_107 = tpu.memref_squeeze %dma_start3A_106 : memref<1x128xf32, #tpu.memory_space<vmem_shared>> -> memref<128xf32, #tpu.memory_space<vmem_shared>>
      %dma_start3A_108 = arith.constant 0 : i32
      %dma_start3A_109 = tpu.memref_slice %arg10[%arg1, %dma_start3A_108] : memref<16x128xf32, #tpu.memory_space<vmem_shared>> -> memref<1x128xf32, #tpu.memory_space<vmem_shared>>
      %dma_start3A_110 = tpu.memref_squeeze %dma_start3A_109 : memref<1x128xf32, #tpu.memory_space<vmem_shared>> -> memref<128xf32, #tpu.memory_space<vmem_shared>>
      tpu.enqueue_dma source(%arg8 : memref<128xf32, #tpu.memory_space<vmem>>) target(%dma_start3A_110 : memref<128xf32, #tpu.memory_space<vmem_shared>>) target_semaphore(%run_scoped3A : memref<!tpu.dma_semaphore, #tpu.memory_space<semaphore_mem>>)
      %dma_wait3A = arith.constant 0 : i32
      %dma_wait3A_111 = tpu.memref_slice %arg10[%arg1, %dma_wait3A] : memref<16x128xf32, #tpu.memory_space<vmem_shared>> -> memref<1x128xf32, #tpu.memory_space<vmem_shared>>
      %dma_wait3A_112 = tpu.memref_squeeze %dma_wait3A_111 : memref<1x128xf32, #tpu.memory_space<vmem_shared>> -> memref<128xf32, #tpu.memory_space<vmem_shared>>
      %dma_wait3A_113 = arith.constant 0 : i32
      %dma_wait3A_114 = tpu.memref_slice %arg10[%arg1, %dma_wait3A_113] : memref<16x128xf32, #tpu.memory_space<vmem_shared>> -> memref<1x128xf32, #tpu.memory_space<vmem_shared>>
      %dma_wait3A_115 = tpu.memref_squeeze %dma_wait3A_114 : memref<1x128xf32, #tpu.memory_space<vmem_shared>> -> memref<128xf32, #tpu.memory_space<vmem_shared>>
      tpu.wait_dma2 semaphore(%run_scoped3A : memref<!tpu.dma_semaphore, #tpu.memory_space<semaphore_mem>>) src(%arg8 : memref<128xf32, #tpu.memory_space<vmem>>) dst(%dma_wait3A_115 : memref<128xf32, #tpu.memory_space<vmem_shared>>)
      tpu.yield
    }) : () -> ()
    %barrier3A = arith.constant 0 : index
    tpu.barrier barrier_id(%barrier3A)
    %eq3A_103 = arith.constant 0 : i32
    %eq3A_104 = arith.cmpi eq, %select_n3A_33, %eq3A_103 : i32
    %convert_element_type3A = arith.extui %eq3A_104 : i1 to i32
    %cond3A = arith.constant 0 : i32
    %cond3A_105 = arith.cmpi ne, %convert_element_type3A, %cond3A : i32
    scf.if %cond3A_105 {
      %add3A_106 = arith.constant 1 : i32
      %add3A_107 = arith.addi %arg1, %add3A_106 : i32
      "tpu.region"() ({
        %run_scoped3A = tpu.sem_alloc : memref<!tpu.dma_semaphore, #tpu.memory_space<semaphore_mem>>
        %dma_start3A = arith.constant 0 : i32
        %dma_start3A_385 = tpu.memref_slice %arg10[%add3A_107, %dma_start3A] : memref<16x128xf32, #tpu.memory_space<vmem_shared>> -> memref<1x128xf32, #tpu.memory_space<vmem_shared>>
        %dma_start3A_386 = tpu.memref_squeeze %dma_start3A_385 : memref<1x128xf32, #tpu.memory_space<vmem_shared>> -> memref<128xf32, #tpu.memory_space<vmem_shared>>
        %dma_start3A_387 = arith.constant 0 : i32
        %dma_start3A_388 = tpu.memref_slice %arg10[%add3A_107, %dma_start3A_387] : memref<16x128xf32, #tpu.memory_space<vmem_shared>> -> memref<1x128xf32, #tpu.memory_space<vmem_shared>>
        %dma_start3A_389 = tpu.memref_squeeze %dma_start3A_388 : memref<1x128xf32, #tpu.memory_space<vmem_shared>> -> memref<128xf32, #tpu.memory_space<vmem_shared>>
        tpu.enqueue_dma source(%dma_start3A_389 : memref<128xf32, #tpu.memory_space<vmem_shared>>) target(%arg9 : memref<128xf32, #tpu.memory_space<vmem>>) target_semaphore(%run_scoped3A : memref<!tpu.dma_semaphore, #tpu.memory_space<semaphore_mem>>)
        %dma_wait3A = arith.constant 0 : i32
        %dma_wait3A_390 = tpu.memref_slice %arg10[%add3A_107, %dma_wait3A] : memref<16x128xf32, #tpu.memory_space<vmem_shared>> -> memref<1x128xf32, #tpu.memory_space<vmem_shared>>
        %dma_wait3A_391 = tpu.memref_squeeze %dma_wait3A_390 : memref<1x128xf32, #tpu.memory_space<vmem_shared>> -> memref<128xf32, #tpu.memory_space<vmem_shared>>
        %dma_wait3A_392 = arith.constant 0 : i32
        %dma_wait3A_393 = tpu.memref_slice %arg10[%add3A_107, %dma_wait3A_392] : memref<16x128xf32, #tpu.memory_space<vmem_shared>> -> memref<1x128xf32, #tpu.memory_space<vmem_shared>>
        %dma_wait3A_394 = tpu.memref_squeeze %dma_wait3A_393 : memref<1x128xf32, #tpu.memory_space<vmem_shared>> -> memref<128xf32, #tpu.memory_space<vmem_shared>>
        tpu.wait_dma2 semaphore(%run_scoped3A : memref<!tpu.dma_semaphore, #tpu.memory_space<semaphore_mem>>) src(%dma_wait3A_394 : memref<128xf32, #tpu.memory_space<vmem_shared>>) dst(%arg9 : memref<128xf32, #tpu.memory_space<vmem>>)
        tpu.yield
      }) : () -> ()
      %get3A_108 = arith.constant 0 : index
      %get3A_109 = tpu.vector_load %arg9[%get3A_108] {strides = array<i32>} : memref<128xf32, #tpu.memory_space<vmem>>, vector<16xf32>,
      %get3A_110 = arith.constant 64 : index
      %get3A_111 = tpu.vector_load %arg9[%get3A_110] {strides = array<i32>} : memref<128xf32, #tpu.memory_space<vmem>>, vector<16xf32>,
      %bitcast3A_112 = vector.bitcast %get3A_111 : vector<16xf32> to vector<16xi32>
      %lt3A_113 = arith.cmpf olt, %get3A_109, %scan3A_83#1 : vector<16xf32>
      %select_n3A_114 = arith.select %lt3A_113, %get3A_109, %scan3A_83#1 : vector<16xi1>, vector<16xf32>
      %select_n3A_115 = arith.select %lt3A_113, %bitcast3A_112, %scan3A_83#5 : vector<16xi1>, vector<16xi32>
      %add3A_116 = arith.constant 1 : i32
      %add3A_117 = vector.broadcast %add3A_116 : i32 to vector<16xi32>
      %add3A_118 = arith.addi %select_n3A_115, %add3A_117 : vector<16xi32>
      %gather3A = tpu.vector_load_idx %arg5[%select_n3A_115] : memref<6144xf32, #tpu.memory_space<vmem>>[vector<16xi32>], vector<16xf32>,
      %add3A_119 = arith.constant 2048 : i32
      %add3A_120 = vector.broadcast %add3A_119 : i32 to vector<16xi32>
      %add3A_121 = arith.addi %select_n3A_115, %add3A_120 : vector<16xi32>
      %gather3A_122 = tpu.vector_load_idx %arg5[%add3A_121] : memref<6144xf32, #tpu.memory_space<vmem>>[vector<16xi32>], vector<16xf32>,
      %add3A_123 = arith.constant 4096 : i32
      %add3A_124 = vector.broadcast %add3A_123 : i32 to vector<16xi32>
      %add3A_125 = arith.addi %select_n3A_115, %add3A_124 : vector<16xi32>
      %gather3A_126 = tpu.vector_load_idx %arg5[%add3A_125] : memref<6144xf32, #tpu.memory_space<vmem>>[vector<16xi32>], vector<16xf32>,
      %gather3A_127 = tpu.vector_load_idx %arg5[%add3A_118] : memref<6144xf32, #tpu.memory_space<vmem>>[vector<16xi32>], vector<16xf32>,
      %add3A_128 = arith.constant 2048 : i32
      %add3A_129 = vector.broadcast %add3A_128 : i32 to vector<16xi32>
      %add3A_130 = arith.addi %add3A_118, %add3A_129 : vector<16xi32>
      %gather3A_131 = tpu.vector_load_idx %arg5[%add3A_130] : memref<6144xf32, #tpu.memory_space<vmem>>[vector<16xi32>], vector<16xf32>,
      %add3A_132 = arith.constant 4096 : i32
      %add3A_133 = vector.broadcast %add3A_132 : i32 to vector<16xi32>
      %add3A_134 = arith.addi %add3A_118, %add3A_133 : vector<16xi32>
      %gather3A_135 = tpu.vector_load_idx %arg5[%add3A_134] : memref<6144xf32, #tpu.memory_space<vmem>>[vector<16xi32>], vector<16xf32>,
      %sub3A_136 = arith.subf %gather3A_127, %gather3A : vector<16xf32>
      %sub3A_137 = arith.subf %gather3A_131, %gather3A_122 : vector<16xf32>
      %sub3A_138 = arith.subf %gather3A_135, %gather3A_126 : vector<16xf32>
      %mul3A_139 = arith.mulf %sub3A_136, %sub3A_136 : vector<16xf32>
      %mul3A_140 = arith.mulf %sub3A_137, %sub3A_137 : vector<16xf32>
      %add3A_141 = arith.addf %mul3A_139, %mul3A_140 : vector<16xf32>
      %mul3A_142 = arith.mulf %sub3A_138, %sub3A_138 : vector<16xf32>
      %add3A_143 = arith.addf %add3A_141, %mul3A_142 : vector<16xf32>
      %max3A = arith.constant 9.99999996E-13 : f32
      %max3A_144 = vector.broadcast %max3A : f32 to vector<16xf32>
      %max3A_145 = arith.maximumf %add3A_143, %max3A_144 : vector<16xf32>
      %div3A_146 = arith.constant 1.000000e+00 : f32
      %div3A_147 = vector.broadcast %div3A_146 : f32 to vector<16xf32>
      %div3A_148 = arith.divf %div3A_147, %max3A_145 : vector<16xf32>
      %sub3A_149 = arith.subf %get3A_34, %gather3A : vector<16xf32>
      %mul3A_150 = arith.mulf %sub3A_149, %sub3A_136 : vector<16xf32>
      %sub3A_151 = arith.subf %get3A_42, %gather3A_122 : vector<16xf32>
      %mul3A_152 = arith.mulf %sub3A_151, %sub3A_137 : vector<16xf32>
      %add3A_153 = arith.addf %mul3A_150, %mul3A_152 : vector<16xf32>
      %sub3A_154 = arith.subf %get3A_50, %gather3A_126 : vector<16xf32>
      %mul3A_155 = arith.mulf %sub3A_154, %sub3A_138 : vector<16xf32>
      %add3A_156 = arith.addf %add3A_153, %mul3A_155 : vector<16xf32>
      %mul3A_157 = arith.mulf %add3A_156, %div3A_148 : vector<16xf32>
      %jit3A_158 = arith.constant 0.000000e+00 : f32
      %jit3A_159 = arith.constant 1.000000e+00 : f32
      %max3A_160 = vector.broadcast %jit3A_158 : f32 to vector<16xf32>
      %max3A_161 = arith.maximumf %max3A_160, %mul3A_157 : vector<16xf32>
      %min3A = vector.broadcast %jit3A_159 : f32 to vector<16xf32>
      %min3A_162 = arith.minimumf %min3A, %max3A_161 : vector<16xf32>
      %mul3A_163 = arith.mulf %min3A_162, %sub3A_136 : vector<16xf32>
      %add3A_164 = arith.addf %gather3A, %mul3A_163 : vector<16xf32>
      %swap3A_165 = arith.constant 0 : index
      %swap3A_166 = tpu.vector_load %arg7[%swap3A_165] {strides = array<i32>} : memref<192xf32, #tpu.memory_space<vmem>>, vector<16xf32>,
      tpu.vector_store %arg7[%swap3A_165], %add3A_164 {strides = array<i32>} : memref<192xf32, #tpu.memory_space<vmem>>, vector<16xf32>,
      %mul3A_167 = arith.mulf %min3A_162, %sub3A_137 : vector<16xf32>
      %add3A_168 = arith.addf %gather3A_122, %mul3A_167 : vector<16xf32>
      %swap3A_169 = arith.constant 64 : index
      %swap3A_170 = tpu.vector_load %arg7[%swap3A_169] {strides = array<i32>} : memref<192xf32, #tpu.memory_space<vmem>>, vector<16xf32>,
      tpu.vector_store %arg7[%swap3A_169], %add3A_168 {strides = array<i32>} : memref<192xf32, #tpu.memory_space<vmem>>, vector<16xf32>,
      %mul3A_171 = arith.mulf %min3A_162, %sub3A_138 : vector<16xf32>
      %add3A_172 = arith.addf %gather3A_126, %mul3A_171 : vector<16xf32>
      %swap3A_173 = arith.constant 128 : index
      %swap3A_174 = tpu.vector_load %arg7[%swap3A_173] {strides = array<i32>} : memref<192xf32, #tpu.memory_space<vmem>>, vector<16xf32>,
      tpu.vector_store %arg7[%swap3A_173], %add3A_172 {strides = array<i32>} : memref<192xf32, #tpu.memory_space<vmem>>, vector<16xf32>,
      %get3A_175 = arith.constant 16 : index
      %get3A_176 = tpu.vector_load %arg9[%get3A_175] {strides = array<i32>} : memref<128xf32, #tpu.memory_space<vmem>>, vector<16xf32>,
      %get3A_177 = arith.constant 80 : index
      %get3A_178 = tpu.vector_load %arg9[%get3A_177] {strides = array<i32>} : memref<128xf32, #tpu.memory_space<vmem>>, vector<16xf32>,
      %bitcast3A_179 = vector.bitcast %get3A_178 : vector<16xf32> to vector<16xi32>
      %lt3A_180 = arith.cmpf olt, %get3A_176, %scan3A_83#2 : vector<16xf32>
      %select_n3A_181 = arith.select %lt3A_180, %get3A_176, %scan3A_83#2 : vector<16xi1>, vector<16xf32>
      %select_n3A_182 = arith.select %lt3A_180, %bitcast3A_179, %scan3A_83#6 : vector<16xi1>, vector<16xi32>
      %add3A_183 = arith.constant 1 : i32
      %add3A_184 = vector.broadcast %add3A_183 : i32 to vector<16xi32>
      %add3A_185 = arith.addi %select_n3A_182, %add3A_184 : vector<16xi32>
      %gather3A_186 = tpu.vector_load_idx %arg5[%select_n3A_182] : memref<6144xf32, #tpu.memory_space<vmem>>[vector<16xi32>], vector<16xf32>,
      %add3A_187 = arith.constant 2048 : i32
      %add3A_188 = vector.broadcast %add3A_187 : i32 to vector<16xi32>
      %add3A_189 = arith.addi %select_n3A_182, %add3A_188 : vector<16xi32>
      %gather3A_190 = tpu.vector_load_idx %arg5[%add3A_189] : memref<6144xf32, #tpu.memory_space<vmem>>[vector<16xi32>], vector<16xf32>,
      %add3A_191 = arith.constant 4096 : i32
      %add3A_192 = vector.broadcast %add3A_191 : i32 to vector<16xi32>
      %add3A_193 = arith.addi %select_n3A_182, %add3A_192 : vector<16xi32>
      %gather3A_194 = tpu.vector_load_idx %arg5[%add3A_193] : memref<6144xf32, #tpu.memory_space<vmem>>[vector<16xi32>], vector<16xf32>,
      %gather3A_195 = tpu.vector_load_idx %arg5[%add3A_185] : memref<6144xf32, #tpu.memory_space<vmem>>[vector<16xi32>], vector<16xf32>,
      %add3A_196 = arith.constant 2048 : i32
      %add3A_197 = vector.broadcast %add3A_196 : i32 to vector<16xi32>
      %add3A_198 = arith.addi %add3A_185, %add3A_197 : vector<16xi32>
      %gather3A_199 = tpu.vector_load_idx %arg5[%add3A_198] : memref<6144xf32, #tpu.memory_space<vmem>>[vector<16xi32>], vector<16xf32>,
      %add3A_200 = arith.constant 4096 : i32
      %add3A_201 = vector.broadcast %add3A_200 : i32 to vector<16xi32>
      %add3A_202 = arith.addi %add3A_185, %add3A_201 : vector<16xi32>
      %gather3A_203 = tpu.vector_load_idx %arg5[%add3A_202] : memref<6144xf32, #tpu.memory_space<vmem>>[vector<16xi32>], vector<16xf32>,
      %sub3A_204 = arith.subf %gather3A_195, %gather3A_186 : vector<16xf32>
      %sub3A_205 = arith.subf %gather3A_199, %gather3A_190 : vector<16xf32>
      %sub3A_206 = arith.subf %gather3A_203, %gather3A_194 : vector<16xf32>
      %mul3A_207 = arith.mulf %sub3A_204, %sub3A_204 : vector<16xf32>
      %mul3A_208 = arith.mulf %sub3A_205, %sub3A_205 : vector<16xf32>
      %add3A_209 = arith.addf %mul3A_207, %mul3A_208 : vector<16xf32>
      %mul3A_210 = arith.mulf %sub3A_206, %sub3A_206 : vector<16xf32>
      %add3A_211 = arith.addf %add3A_209, %mul3A_210 : vector<16xf32>
      %max3A_212 = arith.constant 9.99999996E-13 : f32
      %max3A_213 = vector.broadcast %max3A_212 : f32 to vector<16xf32>
      %max3A_214 = arith.maximumf %add3A_211, %max3A_213 : vector<16xf32>
      %div3A_215 = arith.constant 1.000000e+00 : f32
      %div3A_216 = vector.broadcast %div3A_215 : f32 to vector<16xf32>
      %div3A_217 = arith.divf %div3A_216, %max3A_214 : vector<16xf32>
      %sub3A_218 = arith.subf %get3A_36, %gather3A_186 : vector<16xf32>
      %mul3A_219 = arith.mulf %sub3A_218, %sub3A_204 : vector<16xf32>
      %sub3A_220 = arith.subf %get3A_44, %gather3A_190 : vector<16xf32>
      %mul3A_221 = arith.mulf %sub3A_220, %sub3A_205 : vector<16xf32>
      %add3A_222 = arith.addf %mul3A_219, %mul3A_221 : vector<16xf32>
      %sub3A_223 = arith.subf %get3A_52, %gather3A_194 : vector<16xf32>
      %mul3A_224 = arith.mulf %sub3A_223, %sub3A_206 : vector<16xf32>
      %add3A_225 = arith.addf %add3A_222, %mul3A_224 : vector<16xf32>
      %mul3A_226 = arith.mulf %add3A_225, %div3A_217 : vector<16xf32>
      %jit3A_227 = arith.constant 0.000000e+00 : f32
      %jit3A_228 = arith.constant 1.000000e+00 : f32
      %max3A_229 = vector.broadcast %jit3A_227 : f32 to vector<16xf32>
      %max3A_230 = arith.maximumf %max3A_229, %mul3A_226 : vector<16xf32>
      %min3A_231 = vector.broadcast %jit3A_228 : f32 to vector<16xf32>
      %min3A_232 = arith.minimumf %min3A_231, %max3A_230 : vector<16xf32>
      %mul3A_233 = arith.mulf %min3A_232, %sub3A_204 : vector<16xf32>
      %add3A_234 = arith.addf %gather3A_186, %mul3A_233 : vector<16xf32>
      %swap3A_235 = arith.constant 16 : index
      %swap3A_236 = tpu.vector_load %arg7[%swap3A_235] {strides = array<i32>} : memref<192xf32, #tpu.memory_space<vmem>>, vector<16xf32>,
      tpu.vector_store %arg7[%swap3A_235], %add3A_234 {strides = array<i32>} : memref<192xf32, #tpu.memory_space<vmem>>, vector<16xf32>,
      %mul3A_237 = arith.mulf %min3A_232, %sub3A_205 : vector<16xf32>
      %add3A_238 = arith.addf %gather3A_190, %mul3A_237 : vector<16xf32>
      %swap3A_239 = arith.constant 80 : index
      %swap3A_240 = tpu.vector_load %arg7[%swap3A_239] {strides = array<i32>} : memref<192xf32, #tpu.memory_space<vmem>>, vector<16xf32>,
      tpu.vector_store %arg7[%swap3A_239], %add3A_238 {strides = array<i32>} : memref<192xf32, #tpu.memory_space<vmem>>, vector<16xf32>,
      %mul3A_241 = arith.mulf %min3A_232, %sub3A_206 : vector<16xf32>
      %add3A_242 = arith.addf %gather3A_194, %mul3A_241 : vector<16xf32>
      %swap3A_243 = arith.constant 144 : index
      %swap3A_244 = tpu.vector_load %arg7[%swap3A_243] {strides = array<i32>} : memref<192xf32, #tpu.memory_space<vmem>>, vector<16xf32>,
      tpu.vector_store %arg7[%swap3A_243], %add3A_242 {strides = array<i32>} : memref<192xf32, #tpu.memory_space<vmem>>, vector<16xf32>,
      %get3A_245 = arith.constant 32 : index
      %get3A_246 = tpu.vector_load %arg9[%get3A_245] {strides = array<i32>} : memref<128xf32, #tpu.memory_space<vmem>>, vector<16xf32>,
      %get3A_247 = arith.constant 96 : index
      %get3A_248 = tpu.vector_load %arg9[%get3A_247] {strides = array<i32>} : memref<128xf32, #tpu.memory_space<vmem>>, vector<16xf32>,
      %bitcast3A_249 = vector.bitcast %get3A_248 : vector<16xf32> to vector<16xi32>
      %lt3A_250 = arith.cmpf olt, %get3A_246, %scan3A_83#3 : vector<16xf32>
      %select_n3A_251 = arith.select %lt3A_250, %get3A_246, %scan3A_83#3 : vector<16xi1>, vector<16xf32>
      %select_n3A_252 = arith.select %lt3A_250, %bitcast3A_249, %scan3A_83#7 : vector<16xi1>, vector<16xi32>
      %add3A_253 = arith.constant 1 : i32
      %add3A_254 = vector.broadcast %add3A_253 : i32 to vector<16xi32>
      %add3A_255 = arith.addi %select_n3A_252, %add3A_254 : vector<16xi32>
      %gather3A_256 = tpu.vector_load_idx %arg5[%select_n3A_252] : memref<6144xf32, #tpu.memory_space<vmem>>[vector<16xi32>], vector<16xf32>,
      %add3A_257 = arith.constant 2048 : i32
      %add3A_258 = vector.broadcast %add3A_257 : i32 to vector<16xi32>
      %add3A_259 = arith.addi %select_n3A_252, %add3A_258 : vector<16xi32>
      %gather3A_260 = tpu.vector_load_idx %arg5[%add3A_259] : memref<6144xf32, #tpu.memory_space<vmem>>[vector<16xi32>], vector<16xf32>,
      %add3A_261 = arith.constant 4096 : i32
      %add3A_262 = vector.broadcast %add3A_261 : i32 to vector<16xi32>
      %add3A_263 = arith.addi %select_n3A_252, %add3A_262 : vector<16xi32>
      %gather3A_264 = tpu.vector_load_idx %arg5[%add3A_263] : memref<6144xf32, #tpu.memory_space<vmem>>[vector<16xi32>], vector<16xf32>,
      %gather3A_265 = tpu.vector_load_idx %arg5[%add3A_255] : memref<6144xf32, #tpu.memory_space<vmem>>[vector<16xi32>], vector<16xf32>,
      %add3A_266 = arith.constant 2048 : i32
      %add3A_267 = vector.broadcast %add3A_266 : i32 to vector<16xi32>
      %add3A_268 = arith.addi %add3A_255, %add3A_267 : vector<16xi32>
      %gather3A_269 = tpu.vector_load_idx %arg5[%add3A_268] : memref<6144xf32, #tpu.memory_space<vmem>>[vector<16xi32>], vector<16xf32>,
      %add3A_270 = arith.constant 4096 : i32
      %add3A_271 = vector.broadcast %add3A_270 : i32 to vector<16xi32>
      %add3A_272 = arith.addi %add3A_255, %add3A_271 : vector<16xi32>
      %gather3A_273 = tpu.vector_load_idx %arg5[%add3A_272] : memref<6144xf32, #tpu.memory_space<vmem>>[vector<16xi32>], vector<16xf32>,
      %sub3A_274 = arith.subf %gather3A_265, %gather3A_256 : vector<16xf32>
      %sub3A_275 = arith.subf %gather3A_269, %gather3A_260 : vector<16xf32>
      %sub3A_276 = arith.subf %gather3A_273, %gather3A_264 : vector<16xf32>
      %mul3A_277 = arith.mulf %sub3A_274, %sub3A_274 : vector<16xf32>
      %mul3A_278 = arith.mulf %sub3A_275, %sub3A_275 : vector<16xf32>
      %add3A_279 = arith.addf %mul3A_277, %mul3A_278 : vector<16xf32>
      %mul3A_280 = arith.mulf %sub3A_276, %sub3A_276 : vector<16xf32>
      %add3A_281 = arith.addf %add3A_279, %mul3A_280 : vector<16xf32>
      %max3A_282 = arith.constant 9.99999996E-13 : f32
      %max3A_283 = vector.broadcast %max3A_282 : f32 to vector<16xf32>
      %max3A_284 = arith.maximumf %add3A_281, %max3A_283 : vector<16xf32>
      %div3A_285 = arith.constant 1.000000e+00 : f32
      %div3A_286 = vector.broadcast %div3A_285 : f32 to vector<16xf32>
      %div3A_287 = arith.divf %div3A_286, %max3A_284 : vector<16xf32>
      %sub3A_288 = arith.subf %get3A_38, %gather3A_256 : vector<16xf32>
      %mul3A_289 = arith.mulf %sub3A_288, %sub3A_274 : vector<16xf32>
      %sub3A_290 = arith.subf %get3A_46, %gather3A_260 : vector<16xf32>
      %mul3A_291 = arith.mulf %sub3A_290, %sub3A_275 : vector<16xf32>
      %add3A_292 = arith.addf %mul3A_289, %mul3A_291 : vector<16xf32>
      %sub3A_293 = arith.subf %get3A_54, %gather3A_264 : vector<16xf32>
      %mul3A_294 = arith.mulf %sub3A_293, %sub3A_276 : vector<16xf32>
      %add3A_295 = arith.addf %add3A_292, %mul3A_294 : vector<16xf32>
      %mul3A_296 = arith.mulf %add3A_295, %div3A_287 : vector<16xf32>
      %jit3A_297 = arith.constant 0.000000e+00 : f32
      %jit3A_298 = arith.constant 1.000000e+00 : f32
      %max3A_299 = vector.broadcast %jit3A_297 : f32 to vector<16xf32>
      %max3A_300 = arith.maximumf %max3A_299, %mul3A_296 : vector<16xf32>
      %min3A_301 = vector.broadcast %jit3A_298 : f32 to vector<16xf32>
      %min3A_302 = arith.minimumf %min3A_301, %max3A_300 : vector<16xf32>
      %mul3A_303 = arith.mulf %min3A_302, %sub3A_274 : vector<16xf32>
      %add3A_304 = arith.addf %gather3A_256, %mul3A_303 : vector<16xf32>
      %swap3A_305 = arith.constant 32 : index
      %swap3A_306 = tpu.vector_load %arg7[%swap3A_305] {strides = array<i32>} : memref<192xf32, #tpu.memory_space<vmem>>, vector<16xf32>,
      tpu.vector_store %arg7[%swap3A_305], %add3A_304 {strides = array<i32>} : memref<192xf32, #tpu.memory_space<vmem>>, vector<16xf32>,
      %mul3A_307 = arith.mulf %min3A_302, %sub3A_275 : vector<16xf32>
      %add3A_308 = arith.addf %gather3A_260, %mul3A_307 : vector<16xf32>
      %swap3A_309 = arith.constant 96 : index
      %swap3A_310 = tpu.vector_load %arg7[%swap3A_309] {strides = array<i32>} : memref<192xf32, #tpu.memory_space<vmem>>, vector<16xf32>,
      tpu.vector_store %arg7[%swap3A_309], %add3A_308 {strides = array<i32>} : memref<192xf32, #tpu.memory_space<vmem>>, vector<16xf32>,
      %mul3A_311 = arith.mulf %min3A_302, %sub3A_276 : vector<16xf32>
      %add3A_312 = arith.addf %gather3A_264, %mul3A_311 : vector<16xf32>
      %swap3A_313 = arith.constant 160 : index
      %swap3A_314 = tpu.vector_load %arg7[%swap3A_313] {strides = array<i32>} : memref<192xf32, #tpu.memory_space<vmem>>, vector<16xf32>,
      tpu.vector_store %arg7[%swap3A_313], %add3A_312 {strides = array<i32>} : memref<192xf32, #tpu.memory_space<vmem>>, vector<16xf32>,
      %get3A_315 = arith.constant 48 : index
      %get3A_316 = tpu.vector_load %arg9[%get3A_315] {strides = array<i32>} : memref<128xf32, #tpu.memory_space<vmem>>, vector<16xf32>,
      %get3A_317 = arith.constant 112 : index
      %get3A_318 = tpu.vector_load %arg9[%get3A_317] {strides = array<i32>} : memref<128xf32, #tpu.memory_space<vmem>>, vector<16xf32>,
      %bitcast3A_319 = vector.bitcast %get3A_318 : vector<16xf32> to vector<16xi32>
      %lt3A_320 = arith.cmpf olt, %get3A_316, %scan3A_83#4 : vector<16xf32>
      %select_n3A_321 = arith.select %lt3A_320, %get3A_316, %scan3A_83#4 : vector<16xi1>, vector<16xf32>
      %select_n3A_322 = arith.select %lt3A_320, %bitcast3A_319, %scan3A_83#8 : vector<16xi1>, vector<16xi32>
      %add3A_323 = arith.constant 1 : i32
      %add3A_324 = vector.broadcast %add3A_323 : i32 to vector<16xi32>
      %add3A_325 = arith.addi %select_n3A_322, %add3A_324 : vector<16xi32>
      %gather3A_326 = tpu.vector_load_idx %arg5[%select_n3A_322] : memref<6144xf32, #tpu.memory_space<vmem>>[vector<16xi32>], vector<16xf32>,
      %add3A_327 = arith.constant 2048 : i32
      %add3A_328 = vector.broadcast %add3A_327 : i32 to vector<16xi32>
      %add3A_329 = arith.addi %select_n3A_322, %add3A_328 : vector<16xi32>
      %gather3A_330 = tpu.vector_load_idx %arg5[%add3A_329] : memref<6144xf32, #tpu.memory_space<vmem>>[vector<16xi32>], vector<16xf32>,
      %add3A_331 = arith.constant 4096 : i32
      %add3A_332 = vector.broadcast %add3A_331 : i32 to vector<16xi32>
      %add3A_333 = arith.addi %select_n3A_322, %add3A_332 : vector<16xi32>
      %gather3A_334 = tpu.vector_load_idx %arg5[%add3A_333] : memref<6144xf32, #tpu.memory_space<vmem>>[vector<16xi32>], vector<16xf32>,
      %gather3A_335 = tpu.vector_load_idx %arg5[%add3A_325] : memref<6144xf32, #tpu.memory_space<vmem>>[vector<16xi32>], vector<16xf32>,
      %add3A_336 = arith.constant 2048 : i32
      %add3A_337 = vector.broadcast %add3A_336 : i32 to vector<16xi32>
      %add3A_338 = arith.addi %add3A_325, %add3A_337 : vector<16xi32>
      %gather3A_339 = tpu.vector_load_idx %arg5[%add3A_338] : memref<6144xf32, #tpu.memory_space<vmem>>[vector<16xi32>], vector<16xf32>,
      %add3A_340 = arith.constant 4096 : i32
      %add3A_341 = vector.broadcast %add3A_340 : i32 to vector<16xi32>
      %add3A_342 = arith.addi %add3A_325, %add3A_341 : vector<16xi32>
      %gather3A_343 = tpu.vector_load_idx %arg5[%add3A_342] : memref<6144xf32, #tpu.memory_space<vmem>>[vector<16xi32>], vector<16xf32>,
      %sub3A_344 = arith.subf %gather3A_335, %gather3A_326 : vector<16xf32>
      %sub3A_345 = arith.subf %gather3A_339, %gather3A_330 : vector<16xf32>
      %sub3A_346 = arith.subf %gather3A_343, %gather3A_334 : vector<16xf32>
      %mul3A_347 = arith.mulf %sub3A_344, %sub3A_344 : vector<16xf32>
      %mul3A_348 = arith.mulf %sub3A_345, %sub3A_345 : vector<16xf32>
      %add3A_349 = arith.addf %mul3A_347, %mul3A_348 : vector<16xf32>
      %mul3A_350 = arith.mulf %sub3A_346, %sub3A_346 : vector<16xf32>
      %add3A_351 = arith.addf %add3A_349, %mul3A_350 : vector<16xf32>
      %max3A_352 = arith.constant 9.99999996E-13 : f32
      %max3A_353 = vector.broadcast %max3A_352 : f32 to vector<16xf32>
      %max3A_354 = arith.maximumf %add3A_351, %max3A_353 : vector<16xf32>
      %div3A_355 = arith.constant 1.000000e+00 : f32
      %div3A_356 = vector.broadcast %div3A_355 : f32 to vector<16xf32>
      %div3A_357 = arith.divf %div3A_356, %max3A_354 : vector<16xf32>
      %sub3A_358 = arith.subf %get3A_40, %gather3A_326 : vector<16xf32>
      %mul3A_359 = arith.mulf %sub3A_358, %sub3A_344 : vector<16xf32>
      %sub3A_360 = arith.subf %get3A_48, %gather3A_330 : vector<16xf32>
      %mul3A_361 = arith.mulf %sub3A_360, %sub3A_345 : vector<16xf32>
      %add3A_362 = arith.addf %mul3A_359, %mul3A_361 : vector<16xf32>
      %sub3A_363 = arith.subf %get3A_56, %gather3A_334 : vector<16xf32>
      %mul3A_364 = arith.mulf %sub3A_363, %sub3A_346 : vector<16xf32>
      %add3A_365 = arith.addf %add3A_362, %mul3A_364 : vector<16xf32>
      %mul3A_366 = arith.mulf %add3A_365, %div3A_357 : vector<16xf32>
      %jit3A_367 = arith.constant 0.000000e+00 : f32
      %jit3A_368 = arith.constant 1.000000e+00 : f32
      %max3A_369 = vector.broadcast %jit3A_367 : f32 to vector<16xf32>
      %max3A_370 = arith.maximumf %max3A_369, %mul3A_366 : vector<16xf32>
      %min3A_371 = vector.broadcast %jit3A_368 : f32 to vector<16xf32>
      %min3A_372 = arith.minimumf %min3A_371, %max3A_370 : vector<16xf32>
      %mul3A_373 = arith.mulf %min3A_372, %sub3A_344 : vector<16xf32>
      %add3A_374 = arith.addf %gather3A_326, %mul3A_373 : vector<16xf32>
      %swap3A_375 = arith.constant 48 : index
      %swap3A_376 = tpu.vector_load %arg7[%swap3A_375] {strides = array<i32>} : memref<192xf32, #tpu.memory_space<vmem>>, vector<16xf32>,
      tpu.vector_store %arg7[%swap3A_375], %add3A_374 {strides = array<i32>} : memref<192xf32, #tpu.memory_space<vmem>>, vector<16xf32>,
      %mul3A_377 = arith.mulf %min3A_372, %sub3A_345 : vector<16xf32>
      %add3A_378 = arith.addf %gather3A_330, %mul3A_377 : vector<16xf32>
      %swap3A_379 = arith.constant 112 : index
      %swap3A_380 = tpu.vector_load %arg7[%swap3A_379] {strides = array<i32>} : memref<192xf32, #tpu.memory_space<vmem>>, vector<16xf32>,
      tpu.vector_store %arg7[%swap3A_379], %add3A_378 {strides = array<i32>} : memref<192xf32, #tpu.memory_space<vmem>>, vector<16xf32>,
      %mul3A_381 = arith.mulf %min3A_372, %sub3A_346 : vector<16xf32>
      %add3A_382 = arith.addf %gather3A_334, %mul3A_381 : vector<16xf32>
      %swap3A_383 = arith.constant 176 : index
      %swap3A_384 = tpu.vector_load %arg7[%swap3A_383] {strides = array<i32>} : memref<192xf32, #tpu.memory_space<vmem>>, vector<16xf32>,
      tpu.vector_store %arg7[%swap3A_383], %add3A_382 {strides = array<i32>} : memref<192xf32, #tpu.memory_space<vmem>>, vector<16xf32>,
      "tpu.region"() ({
        %run_scoped3A = tpu.sem_alloc : memref<!tpu.dma_semaphore, #tpu.memory_space<semaphore_mem>>
        %dma_start3A = arith.constant 0 : i32
        %dma_start3A_385 = tpu.memref_slice %arg4[%add3A_19, %dma_start3A] : memref<16x192xf32, #tpu.memory_space<hbm>> -> memref<1x192xf32, #tpu.memory_space<hbm>>
        %dma_start3A_386 = tpu.memref_squeeze %dma_start3A_385 : memref<1x192xf32, #tpu.memory_space<hbm>> -> memref<192xf32, #tpu.memory_space<hbm>>
        %dma_start3A_387 = arith.constant 0 : i32
        %dma_start3A_388 = tpu.memref_slice %arg4[%add3A_19, %dma_start3A_387] : memref<16x192xf32, #tpu.memory_space<hbm>> -> memref<1x192xf32, #tpu.memory_space<hbm>>
        %dma_start3A_389 = tpu.memref_squeeze %dma_start3A_388 : memref<1x192xf32, #tpu.memory_space<hbm>> -> memref<192xf32, #tpu.memory_space<hbm>>
        tpu.enqueue_dma source(%arg7 : memref<192xf32, #tpu.memory_space<vmem>>) target(%dma_start3A_389 : memref<192xf32, #tpu.memory_space<hbm>>) target_semaphore(%run_scoped3A : memref<!tpu.dma_semaphore, #tpu.memory_space<semaphore_mem>>)
        %dma_wait3A = arith.constant 0 : i32
        %dma_wait3A_390 = tpu.memref_slice %arg4[%add3A_19, %dma_wait3A] : memref<16x192xf32, #tpu.memory_space<hbm>> -> memref<1x192xf32, #tpu.memory_space<hbm>>
        %dma_wait3A_391 = tpu.memref_squeeze %dma_wait3A_390 : memref<1x192xf32, #tpu.memory_space<hbm>> -> memref<192xf32, #tpu.memory_space<hbm>>
        %dma_wait3A_392 = arith.constant 0 : i32
        %dma_wait3A_393 = tpu.memref_slice %arg4[%add3A_19, %dma_wait3A_392] : memref<16x192xf32, #tpu.memory_space<hbm>> -> memref<1x192xf32, #tpu.memory_space<hbm>>
        %dma_wait3A_394 = tpu.memref_squeeze %dma_wait3A_393 : memref<1x192xf32, #tpu.memory_space<hbm>> -> memref<192xf32, #tpu.memory_space<hbm>>
        tpu.wait_dma2 semaphore(%run_scoped3A : memref<!tpu.dma_semaphore, #tpu.memory_space<semaphore_mem>>) src(%arg7 : memref<192xf32, #tpu.memory_space<vmem>>) dst(%dma_wait3A_394 : memref<192xf32, #tpu.memory_space<hbm>>)
        tpu.yield
      }) : () -> ()
    } else {
    }
    return
  }
}

module attributes {stable_mosaic.version = 14 : i64} {
  func.func @_tc_body(%arg0: i32, %arg1: memref<4x3x2048xf32, #tpu.memory_space<vmem>>, %arg2: memref<4x3x64x1xf32, #tpu.memory_space<vmem>>, %arg3: memref<4x3x64x1xf32, #tpu.memory_space<vmem>>) attributes {dimension_semantics = [#tpu.dimension_semantics<arbitrary>], iteration_bounds = array<i64: 12>, scalar_prefetch = 0 : i64, scratch_operands = 0 : i64, tpu.core_type = #tpu.core_type<tc>, window_params = [{transform_indices = @transform_0, window_bounds = array<i64: 4, 3, 2048>}, {transform_indices = @transform_1, window_bounds = array<i64: 4, 3, 64, 1>}, {transform_indices = @transform_2, window_bounds = array<i64: 4, 3, 64, 1>}]} {
    %iota3A = tpu.iota {dimensions = array<i32: 1>} : vector<1x2048xi32>
    %and3A = arith.constant 63 : i32
    %and3A_0 = vector.broadcast %and3A : i32 to vector<1x2048xi32>
    %and3A_1 = arith.andi %iota3A, %and3A_0 : vector<1x2048xi32>
    %eq3A = arith.constant 63 : i32
    %eq3A_2 = vector.broadcast %eq3A : i32 to vector<1x2048xi32>
    %eq3A_3 = arith.cmpi eq, %and3A_1, %eq3A_2 : vector<1x2048xi32>
    %get3A = arith.constant 0 : index
    %get3A_4 = arith.constant 0 : index
    %get3A_5 = arith.constant 0 : index
    %get3A_6 = vector.load %arg1[%get3A, %get3A_4, %get3A_5] : memref<4x3x2048xf32, #tpu.memory_space<vmem>>, vector<1x1x2048xf32>
    %get3A_7 = vector.shape_cast %get3A_6 : vector<1x1x2048xf32> to vector<1x2048xf32>
    %get3A_8 = arith.constant 0 : index
    %get3A_9 = arith.constant 1 : index
    %get3A_10 = arith.constant 0 : index
    %get3A_11 = vector.load %arg1[%get3A_8, %get3A_9, %get3A_10] : memref<4x3x2048xf32, #tpu.memory_space<vmem>>, vector<1x1x2048xf32>
    %get3A_12 = vector.shape_cast %get3A_11 : vector<1x1x2048xf32> to vector<1x2048xf32>
    %get3A_13 = arith.constant 0 : index
    %get3A_14 = arith.constant 2 : index
    %get3A_15 = arith.constant 0 : index
    %get3A_16 = vector.load %arg1[%get3A_13, %get3A_14, %get3A_15] : memref<4x3x2048xf32, #tpu.memory_space<vmem>>, vector<1x1x2048xf32>
    %get3A_17 = vector.shape_cast %get3A_16 : vector<1x1x2048xf32> to vector<1x2048xf32>
    %slice3A = vector.extract_strided_slice %get3A_7 {offsets = [0, 1], sizes = [1, 2047], strides = [1, 1]} : vector<1x2048xf32> to vector<1x2047xf32>
    %slice3A_18 = vector.extract_strided_slice %get3A_7 {offsets = [0, 0], sizes = [1, 1], strides = [1, 1]} : vector<1x2048xf32> to vector<1x1xf32>
    %concatenate3A = tpu.concatenate %slice3A, %slice3A_18 in 1 : vector<1x2047xf32>, vector<1x1xf32> -> vector<1x2048xf32>
    %select_n3A = arith.select %eq3A_3, %get3A_7, %concatenate3A : vector<1x2048xi1>, vector<1x2048xf32>
    %slice3A_19 = vector.extract_strided_slice %get3A_12 {offsets = [0, 1], sizes = [1, 2047], strides = [1, 1]} : vector<1x2048xf32> to vector<1x2047xf32>
    %slice3A_20 = vector.extract_strided_slice %get3A_12 {offsets = [0, 0], sizes = [1, 1], strides = [1, 1]} : vector<1x2048xf32> to vector<1x1xf32>
    %concatenate3A_21 = tpu.concatenate %slice3A_19, %slice3A_20 in 1 : vector<1x2047xf32>, vector<1x1xf32> -> vector<1x2048xf32>
    %select_n3A_22 = arith.select %eq3A_3, %get3A_12, %concatenate3A_21 : vector<1x2048xi1>, vector<1x2048xf32>
    %slice3A_23 = vector.extract_strided_slice %get3A_17 {offsets = [0, 1], sizes = [1, 2047], strides = [1, 1]} : vector<1x2048xf32> to vector<1x2047xf32>
    %slice3A_24 = vector.extract_strided_slice %get3A_17 {offsets = [0, 0], sizes = [1, 1], strides = [1, 1]} : vector<1x2048xf32> to vector<1x1xf32>
    %concatenate3A_25 = tpu.concatenate %slice3A_23, %slice3A_24 in 1 : vector<1x2047xf32>, vector<1x1xf32> -> vector<1x2048xf32>
    %select_n3A_26 = arith.select %eq3A_3, %get3A_17, %concatenate3A_25 : vector<1x2048xi1>, vector<1x2048xf32>
    %sub3A = arith.subf %select_n3A, %get3A_7 : vector<1x2048xf32>
    %sub3A_27 = arith.subf %select_n3A_22, %get3A_12 : vector<1x2048xf32>
    %sub3A_28 = arith.subf %select_n3A_26, %get3A_17 : vector<1x2048xf32>
    %mul3A = arith.mulf %sub3A, %sub3A : vector<1x2048xf32>
    %mul3A_29 = arith.mulf %sub3A_27, %sub3A_27 : vector<1x2048xf32>
    %add3A = arith.addf %mul3A, %mul3A_29 : vector<1x2048xf32>
    %mul3A_30 = arith.mulf %sub3A_28, %sub3A_28 : vector<1x2048xf32>
    %add3A_31 = arith.addf %add3A, %mul3A_30 : vector<1x2048xf32>
    %max3A = arith.constant 9.99999996E-13 : f32
    %max3A_32 = vector.broadcast %max3A : f32 to vector<1x2048xf32>
    %max3A_33 = arith.maximumf %add3A_31, %max3A_32 : vector<1x2048xf32>
    %div3A = arith.constant 1.000000e+00 : f32
    %div3A_34 = vector.broadcast %div3A : f32 to vector<1x2048xf32>
    %div3A_35 = arith.divf %div3A_34, %max3A_33 : vector<1x2048xf32>
    %get3A_36 = arith.constant 0 : index
    %get3A_37 = arith.constant 0 : index
    %get3A_38 = arith.constant 0 : index
    %get3A_39 = arith.constant 0 : index
    %get3A_40 = vector.load %arg2[%get3A_36, %get3A_37, %get3A_38, %get3A_39] : memref<4x3x64x1xf32, #tpu.memory_space<vmem>>, vector<1x1x64x1xf32>
    %get3A_41 = vector.shape_cast %get3A_40 : vector<1x1x64x1xf32> to vector<64x1xf32>
    %get3A_42 = arith.constant 0 : index
    %get3A_43 = arith.constant 1 : index
    %get3A_44 = arith.constant 0 : index
    %get3A_45 = arith.constant 0 : index
    %get3A_46 = vector.load %arg2[%get3A_42, %get3A_43, %get3A_44, %get3A_45] : memref<4x3x64x1xf32, #tpu.memory_space<vmem>>, vector<1x1x64x1xf32>
    %get3A_47 = vector.shape_cast %get3A_46 : vector<1x1x64x1xf32> to vector<64x1xf32>
    %get3A_48 = arith.constant 0 : index
    %get3A_49 = arith.constant 2 : index
    %get3A_50 = arith.constant 0 : index
    %get3A_51 = arith.constant 0 : index
    %get3A_52 = vector.load %arg2[%get3A_48, %get3A_49, %get3A_50, %get3A_51] : memref<4x3x64x1xf32, #tpu.memory_space<vmem>>, vector<1x1x64x1xf32>
    %get3A_53 = vector.shape_cast %get3A_52 : vector<1x1x64x1xf32> to vector<64x1xf32>
    %sub3A_54 = vector.broadcast %get3A_41 : vector<64x1xf32> to vector<64x2048xf32>
    %sub3A_55 = vector.broadcast %get3A_7 : vector<1x2048xf32> to vector<64x2048xf32>
    %sub3A_56 = arith.subf %sub3A_54, %sub3A_55 : vector<64x2048xf32>
    %mul3A_57 = vector.broadcast %sub3A : vector<1x2048xf32> to vector<64x2048xf32>
    %mul3A_58 = arith.mulf %sub3A_56, %mul3A_57 : vector<64x2048xf32>
    %sub3A_59 = vector.broadcast %get3A_47 : vector<64x1xf32> to vector<64x2048xf32>
    %sub3A_60 = vector.broadcast %get3A_12 : vector<1x2048xf32> to vector<64x2048xf32>
    %sub3A_61 = arith.subf %sub3A_59, %sub3A_60 : vector<64x2048xf32>
    %mul3A_62 = vector.broadcast %sub3A_27 : vector<1x2048xf32> to vector<64x2048xf32>
    %mul3A_63 = arith.mulf %sub3A_61, %mul3A_62 : vector<64x2048xf32>
    %add3A_64 = arith.addf %mul3A_58, %mul3A_63 : vector<64x2048xf32>
    %sub3A_65 = vector.broadcast %get3A_53 : vector<64x1xf32> to vector<64x2048xf32>
    %sub3A_66 = vector.broadcast %get3A_17 : vector<1x2048xf32> to vector<64x2048xf32>
    %sub3A_67 = arith.subf %sub3A_65, %sub3A_66 : vector<64x2048xf32>
    %mul3A_68 = vector.broadcast %sub3A_28 : vector<1x2048xf32> to vector<64x2048xf32>
    %mul3A_69 = arith.mulf %sub3A_67, %mul3A_68 : vector<64x2048xf32>
    %add3A_70 = arith.addf %add3A_64, %mul3A_69 : vector<64x2048xf32>
    %mul3A_71 = vector.broadcast %div3A_35 : vector<1x2048xf32> to vector<64x2048xf32>
    %mul3A_72 = arith.mulf %add3A_70, %mul3A_71 : vector<64x2048xf32>
    %jit3A = arith.constant 0.000000e+00 : f32
    %jit3A_73 = arith.constant 1.000000e+00 : f32
    %max3A_74 = vector.broadcast %jit3A : f32 to vector<64x2048xf32>
    %max3A_75 = arith.maximumf %max3A_74, %mul3A_72 : vector<64x2048xf32>
    %min3A = vector.broadcast %jit3A_73 : f32 to vector<64x2048xf32>
    %min3A_76 = arith.minimumf %min3A, %max3A_75 : vector<64x2048xf32>
    %mul3A_77 = vector.broadcast %sub3A : vector<1x2048xf32> to vector<64x2048xf32>
    %mul3A_78 = arith.mulf %min3A_76, %mul3A_77 : vector<64x2048xf32>
    %add3A_79 = vector.broadcast %get3A_7 : vector<1x2048xf32> to vector<64x2048xf32>
    %add3A_80 = arith.addf %add3A_79, %mul3A_78 : vector<64x2048xf32>
    %mul3A_81 = vector.broadcast %sub3A_27 : vector<1x2048xf32> to vector<64x2048xf32>
    %mul3A_82 = arith.mulf %min3A_76, %mul3A_81 : vector<64x2048xf32>
    %add3A_83 = vector.broadcast %get3A_12 : vector<1x2048xf32> to vector<64x2048xf32>
    %add3A_84 = arith.addf %add3A_83, %mul3A_82 : vector<64x2048xf32>
    %mul3A_85 = vector.broadcast %sub3A_28 : vector<1x2048xf32> to vector<64x2048xf32>
    %mul3A_86 = arith.mulf %min3A_76, %mul3A_85 : vector<64x2048xf32>
    %add3A_87 = vector.broadcast %get3A_17 : vector<1x2048xf32> to vector<64x2048xf32>
    %add3A_88 = arith.addf %add3A_87, %mul3A_86 : vector<64x2048xf32>
    %sub3A_89 = vector.broadcast %get3A_41 : vector<64x1xf32> to vector<64x2048xf32>
    %sub3A_90 = arith.subf %sub3A_89, %add3A_80 : vector<64x2048xf32>
    %sub3A_91 = vector.broadcast %get3A_47 : vector<64x1xf32> to vector<64x2048xf32>
    %sub3A_92 = arith.subf %sub3A_91, %add3A_84 : vector<64x2048xf32>
    %sub3A_93 = vector.broadcast %get3A_53 : vector<64x1xf32> to vector<64x2048xf32>
    %sub3A_94 = arith.subf %sub3A_93, %add3A_88 : vector<64x2048xf32>
    %mul3A_95 = arith.mulf %sub3A_90, %sub3A_90 : vector<64x2048xf32>
    %mul3A_96 = arith.mulf %sub3A_92, %sub3A_92 : vector<64x2048xf32>
    %add3A_97 = arith.addf %mul3A_95, %mul3A_96 : vector<64x2048xf32>
    %mul3A_98 = arith.mulf %sub3A_94, %sub3A_94 : vector<64x2048xf32>
    %add3A_99 = arith.addf %add3A_97, %mul3A_98 : vector<64x2048xf32>
    %reduce_min3A = arith.constant dense<0x7F800000> : vector<64xf32>
    %reduce_min3A_100 = vector.multi_reduction <minimumf>, %add3A_99, %reduce_min3A [1] : vector<64x2048xf32> to vector<64xf32>
    %broadcast_in_dim3A = vector.shape_cast %reduce_min3A_100 : vector<64xf32> to vector<64x1xf32>
    %eq3A_101 = vector.broadcast %broadcast_in_dim3A : vector<64x1xf32> to vector<64x2048xf32>
    %eq3A_102 = arith.cmpf oeq, %add3A_99, %eq3A_101 : vector<64x2048xf32>
    %jit3A_103 = arith.constant 2048 : i32
    %broadcast_in_dim3A_104 = vector.shape_cast %iota3A : vector<1x2048xi32> to vector<1x2048xi32>
    %broadcast_in_dim3A_105 = vector.broadcast %broadcast_in_dim3A_104 : vector<1x2048xi32> to vector<64x2048xi32>
    %broadcast_in_dim3A_106 = vector.broadcast %jit3A_103 : i32 to vector<64x2048xi32>
    %select_n3A_107 = arith.select %eq3A_102, %broadcast_in_dim3A_105, %broadcast_in_dim3A_106 : vector<64x2048xi1>, vector<64x2048xi32>
    %reduce_min3A_108 = arith.constant dense<2147483647> : vector<64xi32>
    %reduce_min3A_109 = vector.multi_reduction <minsi>, %select_n3A_107, %reduce_min3A_108 [1] : vector<64x2048xi32> to vector<64xi32>
    %broadcast_in_dim3A_110 = vector.shape_cast %reduce_min3A_109 : vector<64xi32> to vector<64x1xi32>
    %eq3A_111 = vector.broadcast %iota3A : vector<1x2048xi32> to vector<64x2048xi32>
    %eq3A_112 = vector.broadcast %broadcast_in_dim3A_110 : vector<64x1xi32> to vector<64x2048xi32>
    %eq3A_113 = arith.cmpi eq, %eq3A_111, %eq3A_112 : vector<64x2048xi32>
    %jit3A_114 = arith.constant 0.000000e+00 : f32
    %broadcast_in_dim3A_115 = vector.broadcast %jit3A_114 : f32 to vector<64x2048xf32>
    %select_n3A_116 = arith.select %eq3A_113, %add3A_80, %broadcast_in_dim3A_115 : vector<64x2048xi1>, vector<64x2048xf32>
    %reduce_sum3A = arith.constant dense<0.000000e+00> : vector<64xf32>
    %reduce_sum3A_117 = vector.multi_reduction <add>, %select_n3A_116, %reduce_sum3A [1] : vector<64x2048xf32> to vector<64xf32>
    %broadcast_in_dim3A_118 = vector.shape_cast %reduce_sum3A_117 : vector<64xf32> to vector<64x1xf32>
    %jit3A_119 = arith.constant 0.000000e+00 : f32
    %broadcast_in_dim3A_120 = vector.broadcast %jit3A_119 : f32 to vector<64x2048xf32>
    %select_n3A_121 = arith.select %eq3A_113, %add3A_84, %broadcast_in_dim3A_120 : vector<64x2048xi1>, vector<64x2048xf32>
    %reduce_sum3A_122 = arith.constant dense<0.000000e+00> : vector<64xf32>
    %reduce_sum3A_123 = vector.multi_reduction <add>, %select_n3A_121, %reduce_sum3A_122 [1] : vector<64x2048xf32> to vector<64xf32>
    %broadcast_in_dim3A_124 = vector.shape_cast %reduce_sum3A_123 : vector<64xf32> to vector<64x1xf32>
    %jit3A_125 = arith.constant 0.000000e+00 : f32
    %broadcast_in_dim3A_126 = vector.broadcast %jit3A_125 : f32 to vector<64x2048xf32>
    %select_n3A_127 = arith.select %eq3A_113, %add3A_88, %broadcast_in_dim3A_126 : vector<64x2048xi1>, vector<64x2048xf32>
    %reduce_sum3A_128 = arith.constant dense<0.000000e+00> : vector<64xf32>
    %reduce_sum3A_129 = vector.multi_reduction <add>, %select_n3A_127, %reduce_sum3A_128 [1] : vector<64x2048xf32> to vector<64xf32>
    %broadcast_in_dim3A_130 = vector.shape_cast %reduce_sum3A_129 : vector<64xf32> to vector<64x1xf32>
    %swap3A = arith.constant 0 : index
    %swap3A_131 = arith.constant 0 : index
    %swap3A_132 = arith.constant 0 : index
    %swap3A_133 = arith.constant 0 : index
    %swap3A_134 = vector.load %arg3[%swap3A, %swap3A_131, %swap3A_132, %swap3A_133] : memref<4x3x64x1xf32, #tpu.memory_space<vmem>>, vector<1x1x64x1xf32>
    %swap3A_135 = vector.shape_cast %swap3A_134 : vector<1x1x64x1xf32> to vector<64x1xf32>
    %swap3A_136 = vector.shape_cast %broadcast_in_dim3A_118 : vector<64x1xf32> to vector<1x1x64x1xf32>
    tpu.vector_store %arg3[%swap3A, %swap3A_131, %swap3A_132, %swap3A_133], %swap3A_136 {strides = array<i32>} : memref<4x3x64x1xf32, #tpu.memory_space<vmem>>, vector<1x1x64x1xf32>,
    %swap3A_137 = arith.constant 0 : index
    %swap3A_138 = arith.constant 1 : index
    %swap3A_139 = arith.constant 0 : index
    %swap3A_140 = arith.constant 0 : index
    %swap3A_141 = vector.load %arg3[%swap3A_137, %swap3A_138, %swap3A_139, %swap3A_140] : memref<4x3x64x1xf32, #tpu.memory_space<vmem>>, vector<1x1x64x1xf32>
    %swap3A_142 = vector.shape_cast %swap3A_141 : vector<1x1x64x1xf32> to vector<64x1xf32>
    %swap3A_143 = vector.shape_cast %broadcast_in_dim3A_124 : vector<64x1xf32> to vector<1x1x64x1xf32>
    tpu.vector_store %arg3[%swap3A_137, %swap3A_138, %swap3A_139, %swap3A_140], %swap3A_143 {strides = array<i32>} : memref<4x3x64x1xf32, #tpu.memory_space<vmem>>, vector<1x1x64x1xf32>,
    %swap3A_144 = arith.constant 0 : index
    %swap3A_145 = arith.constant 2 : index
    %swap3A_146 = arith.constant 0 : index
    %swap3A_147 = arith.constant 0 : index
    %swap3A_148 = vector.load %arg3[%swap3A_144, %swap3A_145, %swap3A_146, %swap3A_147] : memref<4x3x64x1xf32, #tpu.memory_space<vmem>>, vector<1x1x64x1xf32>
    %swap3A_149 = vector.shape_cast %swap3A_148 : vector<1x1x64x1xf32> to vector<64x1xf32>
    %swap3A_150 = vector.shape_cast %broadcast_in_dim3A_130 : vector<64x1xf32> to vector<1x1x64x1xf32>
    tpu.vector_store %arg3[%swap3A_144, %swap3A_145, %swap3A_146, %swap3A_147], %swap3A_150 {strides = array<i32>} : memref<4x3x64x1xf32, #tpu.memory_space<vmem>>, vector<1x1x64x1xf32>,
    %get3A_151 = arith.constant 1 : index
    %get3A_152 = arith.constant 0 : index
    %get3A_153 = arith.constant 0 : index
    %get3A_154 = vector.load %arg1[%get3A_151, %get3A_152, %get3A_153] : memref<4x3x2048xf32, #tpu.memory_space<vmem>>, vector<1x1x2048xf32>
    %get3A_155 = vector.shape_cast %get3A_154 : vector<1x1x2048xf32> to vector<1x2048xf32>
    %get3A_156 = arith.constant 1 : index
    %get3A_157 = arith.constant 1 : index
    %get3A_158 = arith.constant 0 : index
    %get3A_159 = vector.load %arg1[%get3A_156, %get3A_157, %get3A_158] : memref<4x3x2048xf32, #tpu.memory_space<vmem>>, vector<1x1x2048xf32>
    %get3A_160 = vector.shape_cast %get3A_159 : vector<1x1x2048xf32> to vector<1x2048xf32>
    %get3A_161 = arith.constant 1 : index
    %get3A_162 = arith.constant 2 : index
    %get3A_163 = arith.constant 0 : index
    %get3A_164 = vector.load %arg1[%get3A_161, %get3A_162, %get3A_163] : memref<4x3x2048xf32, #tpu.memory_space<vmem>>, vector<1x1x2048xf32>
    %get3A_165 = vector.shape_cast %get3A_164 : vector<1x1x2048xf32> to vector<1x2048xf32>
    %slice3A_166 = vector.extract_strided_slice %get3A_155 {offsets = [0, 1], sizes = [1, 2047], strides = [1, 1]} : vector<1x2048xf32> to vector<1x2047xf32>
    %slice3A_167 = vector.extract_strided_slice %get3A_155 {offsets = [0, 0], sizes = [1, 1], strides = [1, 1]} : vector<1x2048xf32> to vector<1x1xf32>
    %concatenate3A_168 = tpu.concatenate %slice3A_166, %slice3A_167 in 1 : vector<1x2047xf32>, vector<1x1xf32> -> vector<1x2048xf32>
    %select_n3A_169 = arith.select %eq3A_3, %get3A_155, %concatenate3A_168 : vector<1x2048xi1>, vector<1x2048xf32>
    %slice3A_170 = vector.extract_strided_slice %get3A_160 {offsets = [0, 1], sizes = [1, 2047], strides = [1, 1]} : vector<1x2048xf32> to vector<1x2047xf32>
    %slice3A_171 = vector.extract_strided_slice %get3A_160 {offsets = [0, 0], sizes = [1, 1], strides = [1, 1]} : vector<1x2048xf32> to vector<1x1xf32>
    %concatenate3A_172 = tpu.concatenate %slice3A_170, %slice3A_171 in 1 : vector<1x2047xf32>, vector<1x1xf32> -> vector<1x2048xf32>
    %select_n3A_173 = arith.select %eq3A_3, %get3A_160, %concatenate3A_172 : vector<1x2048xi1>, vector<1x2048xf32>
    %slice3A_174 = vector.extract_strided_slice %get3A_165 {offsets = [0, 1], sizes = [1, 2047], strides = [1, 1]} : vector<1x2048xf32> to vector<1x2047xf32>
    %slice3A_175 = vector.extract_strided_slice %get3A_165 {offsets = [0, 0], sizes = [1, 1], strides = [1, 1]} : vector<1x2048xf32> to vector<1x1xf32>
    %concatenate3A_176 = tpu.concatenate %slice3A_174, %slice3A_175 in 1 : vector<1x2047xf32>, vector<1x1xf32> -> vector<1x2048xf32>
    %select_n3A_177 = arith.select %eq3A_3, %get3A_165, %concatenate3A_176 : vector<1x2048xi1>, vector<1x2048xf32>
    %sub3A_178 = arith.subf %select_n3A_169, %get3A_155 : vector<1x2048xf32>
    %sub3A_179 = arith.subf %select_n3A_173, %get3A_160 : vector<1x2048xf32>
    %sub3A_180 = arith.subf %select_n3A_177, %get3A_165 : vector<1x2048xf32>
    %mul3A_181 = arith.mulf %sub3A_178, %sub3A_178 : vector<1x2048xf32>
    %mul3A_182 = arith.mulf %sub3A_179, %sub3A_179 : vector<1x2048xf32>
    %add3A_183 = arith.addf %mul3A_181, %mul3A_182 : vector<1x2048xf32>
    %mul3A_184 = arith.mulf %sub3A_180, %sub3A_180 : vector<1x2048xf32>
    %add3A_185 = arith.addf %add3A_183, %mul3A_184 : vector<1x2048xf32>
    %max3A_186 = arith.constant 9.99999996E-13 : f32
    %max3A_187 = vector.broadcast %max3A_186 : f32 to vector<1x2048xf32>
    %max3A_188 = arith.maximumf %add3A_185, %max3A_187 : vector<1x2048xf32>
    %div3A_189 = arith.constant 1.000000e+00 : f32
    %div3A_190 = vector.broadcast %div3A_189 : f32 to vector<1x2048xf32>
    %div3A_191 = arith.divf %div3A_190, %max3A_188 : vector<1x2048xf32>
    %get3A_192 = arith.constant 1 : index
    %get3A_193 = arith.constant 0 : index
    %get3A_194 = arith.constant 0 : index
    %get3A_195 = arith.constant 0 : index
    %get3A_196 = vector.load %arg2[%get3A_192, %get3A_193, %get3A_194, %get3A_195] : memref<4x3x64x1xf32, #tpu.memory_space<vmem>>, vector<1x1x64x1xf32>
    %get3A_197 = vector.shape_cast %get3A_196 : vector<1x1x64x1xf32> to vector<64x1xf32>
    %get3A_198 = arith.constant 1 : index
    %get3A_199 = arith.constant 1 : index
    %get3A_200 = arith.constant 0 : index
    %get3A_201 = arith.constant 0 : index
    %get3A_202 = vector.load %arg2[%get3A_198, %get3A_199, %get3A_200, %get3A_201] : memref<4x3x64x1xf32, #tpu.memory_space<vmem>>, vector<1x1x64x1xf32>
    %get3A_203 = vector.shape_cast %get3A_202 : vector<1x1x64x1xf32> to vector<64x1xf32>
    %get3A_204 = arith.constant 1 : index
    %get3A_205 = arith.constant 2 : index
    %get3A_206 = arith.constant 0 : index
    %get3A_207 = arith.constant 0 : index
    %get3A_208 = vector.load %arg2[%get3A_204, %get3A_205, %get3A_206, %get3A_207] : memref<4x3x64x1xf32, #tpu.memory_space<vmem>>, vector<1x1x64x1xf32>
    %get3A_209 = vector.shape_cast %get3A_208 : vector<1x1x64x1xf32> to vector<64x1xf32>
    %sub3A_210 = vector.broadcast %get3A_197 : vector<64x1xf32> to vector<64x2048xf32>
    %sub3A_211 = vector.broadcast %get3A_155 : vector<1x2048xf32> to vector<64x2048xf32>
    %sub3A_212 = arith.subf %sub3A_210, %sub3A_211 : vector<64x2048xf32>
    %mul3A_213 = vector.broadcast %sub3A_178 : vector<1x2048xf32> to vector<64x2048xf32>
    %mul3A_214 = arith.mulf %sub3A_212, %mul3A_213 : vector<64x2048xf32>
    %sub3A_215 = vector.broadcast %get3A_203 : vector<64x1xf32> to vector<64x2048xf32>
    %sub3A_216 = vector.broadcast %get3A_160 : vector<1x2048xf32> to vector<64x2048xf32>
    %sub3A_217 = arith.subf %sub3A_215, %sub3A_216 : vector<64x2048xf32>
    %mul3A_218 = vector.broadcast %sub3A_179 : vector<1x2048xf32> to vector<64x2048xf32>
    %mul3A_219 = arith.mulf %sub3A_217, %mul3A_218 : vector<64x2048xf32>
    %add3A_220 = arith.addf %mul3A_214, %mul3A_219 : vector<64x2048xf32>
    %sub3A_221 = vector.broadcast %get3A_209 : vector<64x1xf32> to vector<64x2048xf32>
    %sub3A_222 = vector.broadcast %get3A_165 : vector<1x2048xf32> to vector<64x2048xf32>
    %sub3A_223 = arith.subf %sub3A_221, %sub3A_222 : vector<64x2048xf32>
    %mul3A_224 = vector.broadcast %sub3A_180 : vector<1x2048xf32> to vector<64x2048xf32>
    %mul3A_225 = arith.mulf %sub3A_223, %mul3A_224 : vector<64x2048xf32>
    %add3A_226 = arith.addf %add3A_220, %mul3A_225 : vector<64x2048xf32>
    %mul3A_227 = vector.broadcast %div3A_191 : vector<1x2048xf32> to vector<64x2048xf32>
    %mul3A_228 = arith.mulf %add3A_226, %mul3A_227 : vector<64x2048xf32>
    %jit3A_229 = arith.constant 0.000000e+00 : f32
    %jit3A_230 = arith.constant 1.000000e+00 : f32
    %max3A_231 = vector.broadcast %jit3A_229 : f32 to vector<64x2048xf32>
    %max3A_232 = arith.maximumf %max3A_231, %mul3A_228 : vector<64x2048xf32>
    %min3A_233 = vector.broadcast %jit3A_230 : f32 to vector<64x2048xf32>
    %min3A_234 = arith.minimumf %min3A_233, %max3A_232 : vector<64x2048xf32>
    %mul3A_235 = vector.broadcast %sub3A_178 : vector<1x2048xf32> to vector<64x2048xf32>
    %mul3A_236 = arith.mulf %min3A_234, %mul3A_235 : vector<64x2048xf32>
    %add3A_237 = vector.broadcast %get3A_155 : vector<1x2048xf32> to vector<64x2048xf32>
    %add3A_238 = arith.addf %add3A_237, %mul3A_236 : vector<64x2048xf32>
    %mul3A_239 = vector.broadcast %sub3A_179 : vector<1x2048xf32> to vector<64x2048xf32>
    %mul3A_240 = arith.mulf %min3A_234, %mul3A_239 : vector<64x2048xf32>
    %add3A_241 = vector.broadcast %get3A_160 : vector<1x2048xf32> to vector<64x2048xf32>
    %add3A_242 = arith.addf %add3A_241, %mul3A_240 : vector<64x2048xf32>
    %mul3A_243 = vector.broadcast %sub3A_180 : vector<1x2048xf32> to vector<64x2048xf32>
    %mul3A_244 = arith.mulf %min3A_234, %mul3A_243 : vector<64x2048xf32>
    %add3A_245 = vector.broadcast %get3A_165 : vector<1x2048xf32> to vector<64x2048xf32>
    %add3A_246 = arith.addf %add3A_245, %mul3A_244 : vector<64x2048xf32>
    %sub3A_247 = vector.broadcast %get3A_197 : vector<64x1xf32> to vector<64x2048xf32>
    %sub3A_248 = arith.subf %sub3A_247, %add3A_238 : vector<64x2048xf32>
    %sub3A_249 = vector.broadcast %get3A_203 : vector<64x1xf32> to vector<64x2048xf32>
    %sub3A_250 = arith.subf %sub3A_249, %add3A_242 : vector<64x2048xf32>
    %sub3A_251 = vector.broadcast %get3A_209 : vector<64x1xf32> to vector<64x2048xf32>
    %sub3A_252 = arith.subf %sub3A_251, %add3A_246 : vector<64x2048xf32>
    %mul3A_253 = arith.mulf %sub3A_248, %sub3A_248 : vector<64x2048xf32>
    %mul3A_254 = arith.mulf %sub3A_250, %sub3A_250 : vector<64x2048xf32>
    %add3A_255 = arith.addf %mul3A_253, %mul3A_254 : vector<64x2048xf32>
    %mul3A_256 = arith.mulf %sub3A_252, %sub3A_252 : vector<64x2048xf32>
    %add3A_257 = arith.addf %add3A_255, %mul3A_256 : vector<64x2048xf32>
    %reduce_min3A_258 = arith.constant dense<0x7F800000> : vector<64xf32>
    %reduce_min3A_259 = vector.multi_reduction <minimumf>, %add3A_257, %reduce_min3A_258 [1] : vector<64x2048xf32> to vector<64xf32>
    %broadcast_in_dim3A_260 = vector.shape_cast %reduce_min3A_259 : vector<64xf32> to vector<64x1xf32>
    %eq3A_261 = vector.broadcast %broadcast_in_dim3A_260 : vector<64x1xf32> to vector<64x2048xf32>
    %eq3A_262 = arith.cmpf oeq, %add3A_257, %eq3A_261 : vector<64x2048xf32>
    %jit3A_263 = arith.constant 2048 : i32
    %broadcast_in_dim3A_264 = vector.shape_cast %iota3A : vector<1x2048xi32> to vector<1x2048xi32>
    %broadcast_in_dim3A_265 = vector.broadcast %broadcast_in_dim3A_264 : vector<1x2048xi32> to vector<64x2048xi32>
    %broadcast_in_dim3A_266 = vector.broadcast %jit3A_263 : i32 to vector<64x2048xi32>
    %select_n3A_267 = arith.select %eq3A_262, %broadcast_in_dim3A_265, %broadcast_in_dim3A_266 : vector<64x2048xi1>, vector<64x2048xi32>
    %reduce_min3A_268 = arith.constant dense<2147483647> : vector<64xi32>
    %reduce_min3A_269 = vector.multi_reduction <minsi>, %select_n3A_267, %reduce_min3A_268 [1] : vector<64x2048xi32> to vector<64xi32>
    %broadcast_in_dim3A_270 = vector.shape_cast %reduce_min3A_269 : vector<64xi32> to vector<64x1xi32>
    %eq3A_271 = vector.broadcast %iota3A : vector<1x2048xi32> to vector<64x2048xi32>
    %eq3A_272 = vector.broadcast %broadcast_in_dim3A_270 : vector<64x1xi32> to vector<64x2048xi32>
    %eq3A_273 = arith.cmpi eq, %eq3A_271, %eq3A_272 : vector<64x2048xi32>
    %jit3A_274 = arith.constant 0.000000e+00 : f32
    %broadcast_in_dim3A_275 = vector.broadcast %jit3A_274 : f32 to vector<64x2048xf32>
    %select_n3A_276 = arith.select %eq3A_273, %add3A_238, %broadcast_in_dim3A_275 : vector<64x2048xi1>, vector<64x2048xf32>
    %reduce_sum3A_277 = arith.constant dense<0.000000e+00> : vector<64xf32>
    %reduce_sum3A_278 = vector.multi_reduction <add>, %select_n3A_276, %reduce_sum3A_277 [1] : vector<64x2048xf32> to vector<64xf32>
    %broadcast_in_dim3A_279 = vector.shape_cast %reduce_sum3A_278 : vector<64xf32> to vector<64x1xf32>
    %jit3A_280 = arith.constant 0.000000e+00 : f32
    %broadcast_in_dim3A_281 = vector.broadcast %jit3A_280 : f32 to vector<64x2048xf32>
    %select_n3A_282 = arith.select %eq3A_273, %add3A_242, %broadcast_in_dim3A_281 : vector<64x2048xi1>, vector<64x2048xf32>
    %reduce_sum3A_283 = arith.constant dense<0.000000e+00> : vector<64xf32>
    %reduce_sum3A_284 = vector.multi_reduction <add>, %select_n3A_282, %reduce_sum3A_283 [1] : vector<64x2048xf32> to vector<64xf32>
    %broadcast_in_dim3A_285 = vector.shape_cast %reduce_sum3A_284 : vector<64xf32> to vector<64x1xf32>
    %jit3A_286 = arith.constant 0.000000e+00 : f32
    %broadcast_in_dim3A_287 = vector.broadcast %jit3A_286 : f32 to vector<64x2048xf32>
    %select_n3A_288 = arith.select %eq3A_273, %add3A_246, %broadcast_in_dim3A_287 : vector<64x2048xi1>, vector<64x2048xf32>
    %reduce_sum3A_289 = arith.constant dense<0.000000e+00> : vector<64xf32>
    %reduce_sum3A_290 = vector.multi_reduction <add>, %select_n3A_288, %reduce_sum3A_289 [1] : vector<64x2048xf32> to vector<64xf32>
    %broadcast_in_dim3A_291 = vector.shape_cast %reduce_sum3A_290 : vector<64xf32> to vector<64x1xf32>
    %swap3A_292 = arith.constant 1 : index
    %swap3A_293 = arith.constant 0 : index
    %swap3A_294 = arith.constant 0 : index
    %swap3A_295 = arith.constant 0 : index
    %swap3A_296 = vector.load %arg3[%swap3A_292, %swap3A_293, %swap3A_294, %swap3A_295] : memref<4x3x64x1xf32, #tpu.memory_space<vmem>>, vector<1x1x64x1xf32>
    %swap3A_297 = vector.shape_cast %swap3A_296 : vector<1x1x64x1xf32> to vector<64x1xf32>
    %swap3A_298 = vector.shape_cast %broadcast_in_dim3A_279 : vector<64x1xf32> to vector<1x1x64x1xf32>
    tpu.vector_store %arg3[%swap3A_292, %swap3A_293, %swap3A_294, %swap3A_295], %swap3A_298 {strides = array<i32>} : memref<4x3x64x1xf32, #tpu.memory_space<vmem>>, vector<1x1x64x1xf32>,
    %swap3A_299 = arith.constant 1 : index
    %swap3A_300 = arith.constant 1 : index
    %swap3A_301 = arith.constant 0 : index
    %swap3A_302 = arith.constant 0 : index
    %swap3A_303 = vector.load %arg3[%swap3A_299, %swap3A_300, %swap3A_301, %swap3A_302] : memref<4x3x64x1xf32, #tpu.memory_space<vmem>>, vector<1x1x64x1xf32>
    %swap3A_304 = vector.shape_cast %swap3A_303 : vector<1x1x64x1xf32> to vector<64x1xf32>
    %swap3A_305 = vector.shape_cast %broadcast_in_dim3A_285 : vector<64x1xf32> to vector<1x1x64x1xf32>
    tpu.vector_store %arg3[%swap3A_299, %swap3A_300, %swap3A_301, %swap3A_302], %swap3A_305 {strides = array<i32>} : memref<4x3x64x1xf32, #tpu.memory_space<vmem>>, vector<1x1x64x1xf32>,
    %swap3A_306 = arith.constant 1 : index
    %swap3A_307 = arith.constant 2 : index
    %swap3A_308 = arith.constant 0 : index
    %swap3A_309 = arith.constant 0 : index
    %swap3A_310 = vector.load %arg3[%swap3A_306, %swap3A_307, %swap3A_308, %swap3A_309] : memref<4x3x64x1xf32, #tpu.memory_space<vmem>>, vector<1x1x64x1xf32>
    %swap3A_311 = vector.shape_cast %swap3A_310 : vector<1x1x64x1xf32> to vector<64x1xf32>
    %swap3A_312 = vector.shape_cast %broadcast_in_dim3A_291 : vector<64x1xf32> to vector<1x1x64x1xf32>
    tpu.vector_store %arg3[%swap3A_306, %swap3A_307, %swap3A_308, %swap3A_309], %swap3A_312 {strides = array<i32>} : memref<4x3x64x1xf32, #tpu.memory_space<vmem>>, vector<1x1x64x1xf32>,
    %get3A_313 = arith.constant 2 : index
    %get3A_314 = arith.constant 0 : index
    %get3A_315 = arith.constant 0 : index
    %get3A_316 = vector.load %arg1[%get3A_313, %get3A_314, %get3A_315] : memref<4x3x2048xf32, #tpu.memory_space<vmem>>, vector<1x1x2048xf32>
    %get3A_317 = vector.shape_cast %get3A_316 : vector<1x1x2048xf32> to vector<1x2048xf32>
    %get3A_318 = arith.constant 2 : index
    %get3A_319 = arith.constant 1 : index
    %get3A_320 = arith.constant 0 : index
    %get3A_321 = vector.load %arg1[%get3A_318, %get3A_319, %get3A_320] : memref<4x3x2048xf32, #tpu.memory_space<vmem>>, vector<1x1x2048xf32>
    %get3A_322 = vector.shape_cast %get3A_321 : vector<1x1x2048xf32> to vector<1x2048xf32>
    %get3A_323 = arith.constant 2 : index
    %get3A_324 = arith.constant 2 : index
    %get3A_325 = arith.constant 0 : index
    %get3A_326 = vector.load %arg1[%get3A_323, %get3A_324, %get3A_325] : memref<4x3x2048xf32, #tpu.memory_space<vmem>>, vector<1x1x2048xf32>
    %get3A_327 = vector.shape_cast %get3A_326 : vector<1x1x2048xf32> to vector<1x2048xf32>
    %slice3A_328 = vector.extract_strided_slice %get3A_317 {offsets = [0, 1], sizes = [1, 2047], strides = [1, 1]} : vector<1x2048xf32> to vector<1x2047xf32>
    %slice3A_329 = vector.extract_strided_slice %get3A_317 {offsets = [0, 0], sizes = [1, 1], strides = [1, 1]} : vector<1x2048xf32> to vector<1x1xf32>
    %concatenate3A_330 = tpu.concatenate %slice3A_328, %slice3A_329 in 1 : vector<1x2047xf32>, vector<1x1xf32> -> vector<1x2048xf32>
    %select_n3A_331 = arith.select %eq3A_3, %get3A_317, %concatenate3A_330 : vector<1x2048xi1>, vector<1x2048xf32>
    %slice3A_332 = vector.extract_strided_slice %get3A_322 {offsets = [0, 1], sizes = [1, 2047], strides = [1, 1]} : vector<1x2048xf32> to vector<1x2047xf32>
    %slice3A_333 = vector.extract_strided_slice %get3A_322 {offsets = [0, 0], sizes = [1, 1], strides = [1, 1]} : vector<1x2048xf32> to vector<1x1xf32>
    %concatenate3A_334 = tpu.concatenate %slice3A_332, %slice3A_333 in 1 : vector<1x2047xf32>, vector<1x1xf32> -> vector<1x2048xf32>
    %select_n3A_335 = arith.select %eq3A_3, %get3A_322, %concatenate3A_334 : vector<1x2048xi1>, vector<1x2048xf32>
    %slice3A_336 = vector.extract_strided_slice %get3A_327 {offsets = [0, 1], sizes = [1, 2047], strides = [1, 1]} : vector<1x2048xf32> to vector<1x2047xf32>
    %slice3A_337 = vector.extract_strided_slice %get3A_327 {offsets = [0, 0], sizes = [1, 1], strides = [1, 1]} : vector<1x2048xf32> to vector<1x1xf32>
    %concatenate3A_338 = tpu.concatenate %slice3A_336, %slice3A_337 in 1 : vector<1x2047xf32>, vector<1x1xf32> -> vector<1x2048xf32>
    %select_n3A_339 = arith.select %eq3A_3, %get3A_327, %concatenate3A_338 : vector<1x2048xi1>, vector<1x2048xf32>
    %sub3A_340 = arith.subf %select_n3A_331, %get3A_317 : vector<1x2048xf32>
    %sub3A_341 = arith.subf %select_n3A_335, %get3A_322 : vector<1x2048xf32>
    %sub3A_342 = arith.subf %select_n3A_339, %get3A_327 : vector<1x2048xf32>
    %mul3A_343 = arith.mulf %sub3A_340, %sub3A_340 : vector<1x2048xf32>
    %mul3A_344 = arith.mulf %sub3A_341, %sub3A_341 : vector<1x2048xf32>
    %add3A_345 = arith.addf %mul3A_343, %mul3A_344 : vector<1x2048xf32>
    %mul3A_346 = arith.mulf %sub3A_342, %sub3A_342 : vector<1x2048xf32>
    %add3A_347 = arith.addf %add3A_345, %mul3A_346 : vector<1x2048xf32>
    %max3A_348 = arith.constant 9.99999996E-13 : f32
    %max3A_349 = vector.broadcast %max3A_348 : f32 to vector<1x2048xf32>
    %max3A_350 = arith.maximumf %add3A_347, %max3A_349 : vector<1x2048xf32>
    %div3A_351 = arith.constant 1.000000e+00 : f32
    %div3A_352 = vector.broadcast %div3A_351 : f32 to vector<1x2048xf32>
    %div3A_353 = arith.divf %div3A_352, %max3A_350 : vector<1x2048xf32>
    %get3A_354 = arith.constant 2 : index
    %get3A_355 = arith.constant 0 : index
    %get3A_356 = arith.constant 0 : index
    %get3A_357 = arith.constant 0 : index
    %get3A_358 = vector.load %arg2[%get3A_354, %get3A_355, %get3A_356, %get3A_357] : memref<4x3x64x1xf32, #tpu.memory_space<vmem>>, vector<1x1x64x1xf32>
    %get3A_359 = vector.shape_cast %get3A_358 : vector<1x1x64x1xf32> to vector<64x1xf32>
    %get3A_360 = arith.constant 2 : index
    %get3A_361 = arith.constant 1 : index
    %get3A_362 = arith.constant 0 : index
    %get3A_363 = arith.constant 0 : index
    %get3A_364 = vector.load %arg2[%get3A_360, %get3A_361, %get3A_362, %get3A_363] : memref<4x3x64x1xf32, #tpu.memory_space<vmem>>, vector<1x1x64x1xf32>
    %get3A_365 = vector.shape_cast %get3A_364 : vector<1x1x64x1xf32> to vector<64x1xf32>
    %get3A_366 = arith.constant 2 : index
    %get3A_367 = arith.constant 2 : index
    %get3A_368 = arith.constant 0 : index
    %get3A_369 = arith.constant 0 : index
    %get3A_370 = vector.load %arg2[%get3A_366, %get3A_367, %get3A_368, %get3A_369] : memref<4x3x64x1xf32, #tpu.memory_space<vmem>>, vector<1x1x64x1xf32>
    %get3A_371 = vector.shape_cast %get3A_370 : vector<1x1x64x1xf32> to vector<64x1xf32>
    %sub3A_372 = vector.broadcast %get3A_359 : vector<64x1xf32> to vector<64x2048xf32>
    %sub3A_373 = vector.broadcast %get3A_317 : vector<1x2048xf32> to vector<64x2048xf32>
    %sub3A_374 = arith.subf %sub3A_372, %sub3A_373 : vector<64x2048xf32>
    %mul3A_375 = vector.broadcast %sub3A_340 : vector<1x2048xf32> to vector<64x2048xf32>
    %mul3A_376 = arith.mulf %sub3A_374, %mul3A_375 : vector<64x2048xf32>
    %sub3A_377 = vector.broadcast %get3A_365 : vector<64x1xf32> to vector<64x2048xf32>
    %sub3A_378 = vector.broadcast %get3A_322 : vector<1x2048xf32> to vector<64x2048xf32>
    %sub3A_379 = arith.subf %sub3A_377, %sub3A_378 : vector<64x2048xf32>
    %mul3A_380 = vector.broadcast %sub3A_341 : vector<1x2048xf32> to vector<64x2048xf32>
    %mul3A_381 = arith.mulf %sub3A_379, %mul3A_380 : vector<64x2048xf32>
    %add3A_382 = arith.addf %mul3A_376, %mul3A_381 : vector<64x2048xf32>
    %sub3A_383 = vector.broadcast %get3A_371 : vector<64x1xf32> to vector<64x2048xf32>
    %sub3A_384 = vector.broadcast %get3A_327 : vector<1x2048xf32> to vector<64x2048xf32>
    %sub3A_385 = arith.subf %sub3A_383, %sub3A_384 : vector<64x2048xf32>
    %mul3A_386 = vector.broadcast %sub3A_342 : vector<1x2048xf32> to vector<64x2048xf32>
    %mul3A_387 = arith.mulf %sub3A_385, %mul3A_386 : vector<64x2048xf32>
    %add3A_388 = arith.addf %add3A_382, %mul3A_387 : vector<64x2048xf32>
    %mul3A_389 = vector.broadcast %div3A_353 : vector<1x2048xf32> to vector<64x2048xf32>
    %mul3A_390 = arith.mulf %add3A_388, %mul3A_389 : vector<64x2048xf32>
    %jit3A_391 = arith.constant 0.000000e+00 : f32
    %jit3A_392 = arith.constant 1.000000e+00 : f32
    %max3A_393 = vector.broadcast %jit3A_391 : f32 to vector<64x2048xf32>
    %max3A_394 = arith.maximumf %max3A_393, %mul3A_390 : vector<64x2048xf32>
    %min3A_395 = vector.broadcast %jit3A_392 : f32 to vector<64x2048xf32>
    %min3A_396 = arith.minimumf %min3A_395, %max3A_394 : vector<64x2048xf32>
    %mul3A_397 = vector.broadcast %sub3A_340 : vector<1x2048xf32> to vector<64x2048xf32>
    %mul3A_398 = arith.mulf %min3A_396, %mul3A_397 : vector<64x2048xf32>
    %add3A_399 = vector.broadcast %get3A_317 : vector<1x2048xf32> to vector<64x2048xf32>
    %add3A_400 = arith.addf %add3A_399, %mul3A_398 : vector<64x2048xf32>
    %mul3A_401 = vector.broadcast %sub3A_341 : vector<1x2048xf32> to vector<64x2048xf32>
    %mul3A_402 = arith.mulf %min3A_396, %mul3A_401 : vector<64x2048xf32>
    %add3A_403 = vector.broadcast %get3A_322 : vector<1x2048xf32> to vector<64x2048xf32>
    %add3A_404 = arith.addf %add3A_403, %mul3A_402 : vector<64x2048xf32>
    %mul3A_405 = vector.broadcast %sub3A_342 : vector<1x2048xf32> to vector<64x2048xf32>
    %mul3A_406 = arith.mulf %min3A_396, %mul3A_405 : vector<64x2048xf32>
    %add3A_407 = vector.broadcast %get3A_327 : vector<1x2048xf32> to vector<64x2048xf32>
    %add3A_408 = arith.addf %add3A_407, %mul3A_406 : vector<64x2048xf32>
    %sub3A_409 = vector.broadcast %get3A_359 : vector<64x1xf32> to vector<64x2048xf32>
    %sub3A_410 = arith.subf %sub3A_409, %add3A_400 : vector<64x2048xf32>
    %sub3A_411 = vector.broadcast %get3A_365 : vector<64x1xf32> to vector<64x2048xf32>
    %sub3A_412 = arith.subf %sub3A_411, %add3A_404 : vector<64x2048xf32>
    %sub3A_413 = vector.broadcast %get3A_371 : vector<64x1xf32> to vector<64x2048xf32>
    %sub3A_414 = arith.subf %sub3A_413, %add3A_408 : vector<64x2048xf32>
    %mul3A_415 = arith.mulf %sub3A_410, %sub3A_410 : vector<64x2048xf32>
    %mul3A_416 = arith.mulf %sub3A_412, %sub3A_412 : vector<64x2048xf32>
    %add3A_417 = arith.addf %mul3A_415, %mul3A_416 : vector<64x2048xf32>
    %mul3A_418 = arith.mulf %sub3A_414, %sub3A_414 : vector<64x2048xf32>
    %add3A_419 = arith.addf %add3A_417, %mul3A_418 : vector<64x2048xf32>
    %reduce_min3A_420 = arith.constant dense<0x7F800000> : vector<64xf32>
    %reduce_min3A_421 = vector.multi_reduction <minimumf>, %add3A_419, %reduce_min3A_420 [1] : vector<64x2048xf32> to vector<64xf32>
    %broadcast_in_dim3A_422 = vector.shape_cast %reduce_min3A_421 : vector<64xf32> to vector<64x1xf32>
    %eq3A_423 = vector.broadcast %broadcast_in_dim3A_422 : vector<64x1xf32> to vector<64x2048xf32>
    %eq3A_424 = arith.cmpf oeq, %add3A_419, %eq3A_423 : vector<64x2048xf32>
    %jit3A_425 = arith.constant 2048 : i32
    %broadcast_in_dim3A_426 = vector.shape_cast %iota3A : vector<1x2048xi32> to vector<1x2048xi32>
    %broadcast_in_dim3A_427 = vector.broadcast %broadcast_in_dim3A_426 : vector<1x2048xi32> to vector<64x2048xi32>
    %broadcast_in_dim3A_428 = vector.broadcast %jit3A_425 : i32 to vector<64x2048xi32>
    %select_n3A_429 = arith.select %eq3A_424, %broadcast_in_dim3A_427, %broadcast_in_dim3A_428 : vector<64x2048xi1>, vector<64x2048xi32>
    %reduce_min3A_430 = arith.constant dense<2147483647> : vector<64xi32>
    %reduce_min3A_431 = vector.multi_reduction <minsi>, %select_n3A_429, %reduce_min3A_430 [1] : vector<64x2048xi32> to vector<64xi32>
    %broadcast_in_dim3A_432 = vector.shape_cast %reduce_min3A_431 : vector<64xi32> to vector<64x1xi32>
    %eq3A_433 = vector.broadcast %iota3A : vector<1x2048xi32> to vector<64x2048xi32>
    %eq3A_434 = vector.broadcast %broadcast_in_dim3A_432 : vector<64x1xi32> to vector<64x2048xi32>
    %eq3A_435 = arith.cmpi eq, %eq3A_433, %eq3A_434 : vector<64x2048xi32>
    %jit3A_436 = arith.constant 0.000000e+00 : f32
    %broadcast_in_dim3A_437 = vector.broadcast %jit3A_436 : f32 to vector<64x2048xf32>
    %select_n3A_438 = arith.select %eq3A_435, %add3A_400, %broadcast_in_dim3A_437 : vector<64x2048xi1>, vector<64x2048xf32>
    %reduce_sum3A_439 = arith.constant dense<0.000000e+00> : vector<64xf32>
    %reduce_sum3A_440 = vector.multi_reduction <add>, %select_n3A_438, %reduce_sum3A_439 [1] : vector<64x2048xf32> to vector<64xf32>
    %broadcast_in_dim3A_441 = vector.shape_cast %reduce_sum3A_440 : vector<64xf32> to vector<64x1xf32>
    %jit3A_442 = arith.constant 0.000000e+00 : f32
    %broadcast_in_dim3A_443 = vector.broadcast %jit3A_442 : f32 to vector<64x2048xf32>
    %select_n3A_444 = arith.select %eq3A_435, %add3A_404, %broadcast_in_dim3A_443 : vector<64x2048xi1>, vector<64x2048xf32>
    %reduce_sum3A_445 = arith.constant dense<0.000000e+00> : vector<64xf32>
    %reduce_sum3A_446 = vector.multi_reduction <add>, %select_n3A_444, %reduce_sum3A_445 [1] : vector<64x2048xf32> to vector<64xf32>
    %broadcast_in_dim3A_447 = vector.shape_cast %reduce_sum3A_446 : vector<64xf32> to vector<64x1xf32>
    %jit3A_448 = arith.constant 0.000000e+00 : f32
    %broadcast_in_dim3A_449 = vector.broadcast %jit3A_448 : f32 to vector<64x2048xf32>
    %select_n3A_450 = arith.select %eq3A_435, %add3A_408, %broadcast_in_dim3A_449 : vector<64x2048xi1>, vector<64x2048xf32>
    %reduce_sum3A_451 = arith.constant dense<0.000000e+00> : vector<64xf32>
    %reduce_sum3A_452 = vector.multi_reduction <add>, %select_n3A_450, %reduce_sum3A_451 [1] : vector<64x2048xf32> to vector<64xf32>
    %broadcast_in_dim3A_453 = vector.shape_cast %reduce_sum3A_452 : vector<64xf32> to vector<64x1xf32>
    %swap3A_454 = arith.constant 2 : index
    %swap3A_455 = arith.constant 0 : index
    %swap3A_456 = arith.constant 0 : index
    %swap3A_457 = arith.constant 0 : index
    %swap3A_458 = vector.load %arg3[%swap3A_454, %swap3A_455, %swap3A_456, %swap3A_457] : memref<4x3x64x1xf32, #tpu.memory_space<vmem>>, vector<1x1x64x1xf32>
    %swap3A_459 = vector.shape_cast %swap3A_458 : vector<1x1x64x1xf32> to vector<64x1xf32>
    %swap3A_460 = vector.shape_cast %broadcast_in_dim3A_441 : vector<64x1xf32> to vector<1x1x64x1xf32>
    tpu.vector_store %arg3[%swap3A_454, %swap3A_455, %swap3A_456, %swap3A_457], %swap3A_460 {strides = array<i32>} : memref<4x3x64x1xf32, #tpu.memory_space<vmem>>, vector<1x1x64x1xf32>,
    %swap3A_461 = arith.constant 2 : index
    %swap3A_462 = arith.constant 1 : index
    %swap3A_463 = arith.constant 0 : index
    %swap3A_464 = arith.constant 0 : index
    %swap3A_465 = vector.load %arg3[%swap3A_461, %swap3A_462, %swap3A_463, %swap3A_464] : memref<4x3x64x1xf32, #tpu.memory_space<vmem>>, vector<1x1x64x1xf32>
    %swap3A_466 = vector.shape_cast %swap3A_465 : vector<1x1x64x1xf32> to vector<64x1xf32>
    %swap3A_467 = vector.shape_cast %broadcast_in_dim3A_447 : vector<64x1xf32> to vector<1x1x64x1xf32>
    tpu.vector_store %arg3[%swap3A_461, %swap3A_462, %swap3A_463, %swap3A_464], %swap3A_467 {strides = array<i32>} : memref<4x3x64x1xf32, #tpu.memory_space<vmem>>, vector<1x1x64x1xf32>,
    %swap3A_468 = arith.constant 2 : index
    %swap3A_469 = arith.constant 2 : index
    %swap3A_470 = arith.constant 0 : index
    %swap3A_471 = arith.constant 0 : index
    %swap3A_472 = vector.load %arg3[%swap3A_468, %swap3A_469, %swap3A_470, %swap3A_471] : memref<4x3x64x1xf32, #tpu.memory_space<vmem>>, vector<1x1x64x1xf32>
    %swap3A_473 = vector.shape_cast %swap3A_472 : vector<1x1x64x1xf32> to vector<64x1xf32>
    %swap3A_474 = vector.shape_cast %broadcast_in_dim3A_453 : vector<64x1xf32> to vector<1x1x64x1xf32>
    tpu.vector_store %arg3[%swap3A_468, %swap3A_469, %swap3A_470, %swap3A_471], %swap3A_474 {strides = array<i32>} : memref<4x3x64x1xf32, #tpu.memory_space<vmem>>, vector<1x1x64x1xf32>,
    %get3A_475 = arith.constant 3 : index
    %get3A_476 = arith.constant 0 : index
    %get3A_477 = arith.constant 0 : index
    %get3A_478 = vector.load %arg1[%get3A_475, %get3A_476, %get3A_477] : memref<4x3x2048xf32, #tpu.memory_space<vmem>>, vector<1x1x2048xf32>
    %get3A_479 = vector.shape_cast %get3A_478 : vector<1x1x2048xf32> to vector<1x2048xf32>
    %get3A_480 = arith.constant 3 : index
    %get3A_481 = arith.constant 1 : index
    %get3A_482 = arith.constant 0 : index
    %get3A_483 = vector.load %arg1[%get3A_480, %get3A_481, %get3A_482] : memref<4x3x2048xf32, #tpu.memory_space<vmem>>, vector<1x1x2048xf32>
    %get3A_484 = vector.shape_cast %get3A_483 : vector<1x1x2048xf32> to vector<1x2048xf32>
    %get3A_485 = arith.constant 3 : index
    %get3A_486 = arith.constant 2 : index
    %get3A_487 = arith.constant 0 : index
    %get3A_488 = vector.load %arg1[%get3A_485, %get3A_486, %get3A_487] : memref<4x3x2048xf32, #tpu.memory_space<vmem>>, vector<1x1x2048xf32>
    %get3A_489 = vector.shape_cast %get3A_488 : vector<1x1x2048xf32> to vector<1x2048xf32>
    %slice3A_490 = vector.extract_strided_slice %get3A_479 {offsets = [0, 1], sizes = [1, 2047], strides = [1, 1]} : vector<1x2048xf32> to vector<1x2047xf32>
    %slice3A_491 = vector.extract_strided_slice %get3A_479 {offsets = [0, 0], sizes = [1, 1], strides = [1, 1]} : vector<1x2048xf32> to vector<1x1xf32>
    %concatenate3A_492 = tpu.concatenate %slice3A_490, %slice3A_491 in 1 : vector<1x2047xf32>, vector<1x1xf32> -> vector<1x2048xf32>
    %select_n3A_493 = arith.select %eq3A_3, %get3A_479, %concatenate3A_492 : vector<1x2048xi1>, vector<1x2048xf32>
    %slice3A_494 = vector.extract_strided_slice %get3A_484 {offsets = [0, 1], sizes = [1, 2047], strides = [1, 1]} : vector<1x2048xf32> to vector<1x2047xf32>
    %slice3A_495 = vector.extract_strided_slice %get3A_484 {offsets = [0, 0], sizes = [1, 1], strides = [1, 1]} : vector<1x2048xf32> to vector<1x1xf32>
    %concatenate3A_496 = tpu.concatenate %slice3A_494, %slice3A_495 in 1 : vector<1x2047xf32>, vector<1x1xf32> -> vector<1x2048xf32>
    %select_n3A_497 = arith.select %eq3A_3, %get3A_484, %concatenate3A_496 : vector<1x2048xi1>, vector<1x2048xf32>
    %slice3A_498 = vector.extract_strided_slice %get3A_489 {offsets = [0, 1], sizes = [1, 2047], strides = [1, 1]} : vector<1x2048xf32> to vector<1x2047xf32>
    %slice3A_499 = vector.extract_strided_slice %get3A_489 {offsets = [0, 0], sizes = [1, 1], strides = [1, 1]} : vector<1x2048xf32> to vector<1x1xf32>
    %concatenate3A_500 = tpu.concatenate %slice3A_498, %slice3A_499 in 1 : vector<1x2047xf32>, vector<1x1xf32> -> vector<1x2048xf32>
    %select_n3A_501 = arith.select %eq3A_3, %get3A_489, %concatenate3A_500 : vector<1x2048xi1>, vector<1x2048xf32>
    %sub3A_502 = arith.subf %select_n3A_493, %get3A_479 : vector<1x2048xf32>
    %sub3A_503 = arith.subf %select_n3A_497, %get3A_484 : vector<1x2048xf32>
    %sub3A_504 = arith.subf %select_n3A_501, %get3A_489 : vector<1x2048xf32>
    %mul3A_505 = arith.mulf %sub3A_502, %sub3A_502 : vector<1x2048xf32>
    %mul3A_506 = arith.mulf %sub3A_503, %sub3A_503 : vector<1x2048xf32>
    %add3A_507 = arith.addf %mul3A_505, %mul3A_506 : vector<1x2048xf32>
    %mul3A_508 = arith.mulf %sub3A_504, %sub3A_504 : vector<1x2048xf32>
    %add3A_509 = arith.addf %add3A_507, %mul3A_508 : vector<1x2048xf32>
    %max3A_510 = arith.constant 9.99999996E-13 : f32
    %max3A_511 = vector.broadcast %max3A_510 : f32 to vector<1x2048xf32>
    %max3A_512 = arith.maximumf %add3A_509, %max3A_511 : vector<1x2048xf32>
    %div3A_513 = arith.constant 1.000000e+00 : f32
    %div3A_514 = vector.broadcast %div3A_513 : f32 to vector<1x2048xf32>
    %div3A_515 = arith.divf %div3A_514, %max3A_512 : vector<1x2048xf32>
    %get3A_516 = arith.constant 3 : index
    %get3A_517 = arith.constant 0 : index
    %get3A_518 = arith.constant 0 : index
    %get3A_519 = arith.constant 0 : index
    %get3A_520 = vector.load %arg2[%get3A_516, %get3A_517, %get3A_518, %get3A_519] : memref<4x3x64x1xf32, #tpu.memory_space<vmem>>, vector<1x1x64x1xf32>
    %get3A_521 = vector.shape_cast %get3A_520 : vector<1x1x64x1xf32> to vector<64x1xf32>
    %get3A_522 = arith.constant 3 : index
    %get3A_523 = arith.constant 1 : index
    %get3A_524 = arith.constant 0 : index
    %get3A_525 = arith.constant 0 : index
    %get3A_526 = vector.load %arg2[%get3A_522, %get3A_523, %get3A_524, %get3A_525] : memref<4x3x64x1xf32, #tpu.memory_space<vmem>>, vector<1x1x64x1xf32>
    %get3A_527 = vector.shape_cast %get3A_526 : vector<1x1x64x1xf32> to vector<64x1xf32>
    %get3A_528 = arith.constant 3 : index
    %get3A_529 = arith.constant 2 : index
    %get3A_530 = arith.constant 0 : index
    %get3A_531 = arith.constant 0 : index
    %get3A_532 = vector.load %arg2[%get3A_528, %get3A_529, %get3A_530, %get3A_531] : memref<4x3x64x1xf32, #tpu.memory_space<vmem>>, vector<1x1x64x1xf32>
    %get3A_533 = vector.shape_cast %get3A_532 : vector<1x1x64x1xf32> to vector<64x1xf32>
    %sub3A_534 = vector.broadcast %get3A_521 : vector<64x1xf32> to vector<64x2048xf32>
    %sub3A_535 = vector.broadcast %get3A_479 : vector<1x2048xf32> to vector<64x2048xf32>
    %sub3A_536 = arith.subf %sub3A_534, %sub3A_535 : vector<64x2048xf32>
    %mul3A_537 = vector.broadcast %sub3A_502 : vector<1x2048xf32> to vector<64x2048xf32>
    %mul3A_538 = arith.mulf %sub3A_536, %mul3A_537 : vector<64x2048xf32>
    %sub3A_539 = vector.broadcast %get3A_527 : vector<64x1xf32> to vector<64x2048xf32>
    %sub3A_540 = vector.broadcast %get3A_484 : vector<1x2048xf32> to vector<64x2048xf32>
    %sub3A_541 = arith.subf %sub3A_539, %sub3A_540 : vector<64x2048xf32>
    %mul3A_542 = vector.broadcast %sub3A_503 : vector<1x2048xf32> to vector<64x2048xf32>
    %mul3A_543 = arith.mulf %sub3A_541, %mul3A_542 : vector<64x2048xf32>
    %add3A_544 = arith.addf %mul3A_538, %mul3A_543 : vector<64x2048xf32>
    %sub3A_545 = vector.broadcast %get3A_533 : vector<64x1xf32> to vector<64x2048xf32>
    %sub3A_546 = vector.broadcast %get3A_489 : vector<1x2048xf32> to vector<64x2048xf32>
    %sub3A_547 = arith.subf %sub3A_545, %sub3A_546 : vector<64x2048xf32>
    %mul3A_548 = vector.broadcast %sub3A_504 : vector<1x2048xf32> to vector<64x2048xf32>
    %mul3A_549 = arith.mulf %sub3A_547, %mul3A_548 : vector<64x2048xf32>
    %add3A_550 = arith.addf %add3A_544, %mul3A_549 : vector<64x2048xf32>
    %mul3A_551 = vector.broadcast %div3A_515 : vector<1x2048xf32> to vector<64x2048xf32>
    %mul3A_552 = arith.mulf %add3A_550, %mul3A_551 : vector<64x2048xf32>
    %jit3A_553 = arith.constant 0.000000e+00 : f32
    %jit3A_554 = arith.constant 1.000000e+00 : f32
    %max3A_555 = vector.broadcast %jit3A_553 : f32 to vector<64x2048xf32>
    %max3A_556 = arith.maximumf %max3A_555, %mul3A_552 : vector<64x2048xf32>
    %min3A_557 = vector.broadcast %jit3A_554 : f32 to vector<64x2048xf32>
    %min3A_558 = arith.minimumf %min3A_557, %max3A_556 : vector<64x2048xf32>
    %mul3A_559 = vector.broadcast %sub3A_502 : vector<1x2048xf32> to vector<64x2048xf32>
    %mul3A_560 = arith.mulf %min3A_558, %mul3A_559 : vector<64x2048xf32>
    %add3A_561 = vector.broadcast %get3A_479 : vector<1x2048xf32> to vector<64x2048xf32>
    %add3A_562 = arith.addf %add3A_561, %mul3A_560 : vector<64x2048xf32>
    %mul3A_563 = vector.broadcast %sub3A_503 : vector<1x2048xf32> to vector<64x2048xf32>
    %mul3A_564 = arith.mulf %min3A_558, %mul3A_563 : vector<64x2048xf32>
    %add3A_565 = vector.broadcast %get3A_484 : vector<1x2048xf32> to vector<64x2048xf32>
    %add3A_566 = arith.addf %add3A_565, %mul3A_564 : vector<64x2048xf32>
    %mul3A_567 = vector.broadcast %sub3A_504 : vector<1x2048xf32> to vector<64x2048xf32>
    %mul3A_568 = arith.mulf %min3A_558, %mul3A_567 : vector<64x2048xf32>
    %add3A_569 = vector.broadcast %get3A_489 : vector<1x2048xf32> to vector<64x2048xf32>
    %add3A_570 = arith.addf %add3A_569, %mul3A_568 : vector<64x2048xf32>
    %sub3A_571 = vector.broadcast %get3A_521 : vector<64x1xf32> to vector<64x2048xf32>
    %sub3A_572 = arith.subf %sub3A_571, %add3A_562 : vector<64x2048xf32>
    %sub3A_573 = vector.broadcast %get3A_527 : vector<64x1xf32> to vector<64x2048xf32>
    %sub3A_574 = arith.subf %sub3A_573, %add3A_566 : vector<64x2048xf32>
    %sub3A_575 = vector.broadcast %get3A_533 : vector<64x1xf32> to vector<64x2048xf32>
    %sub3A_576 = arith.subf %sub3A_575, %add3A_570 : vector<64x2048xf32>
    %mul3A_577 = arith.mulf %sub3A_572, %sub3A_572 : vector<64x2048xf32>
    %mul3A_578 = arith.mulf %sub3A_574, %sub3A_574 : vector<64x2048xf32>
    %add3A_579 = arith.addf %mul3A_577, %mul3A_578 : vector<64x2048xf32>
    %mul3A_580 = arith.mulf %sub3A_576, %sub3A_576 : vector<64x2048xf32>
    %add3A_581 = arith.addf %add3A_579, %mul3A_580 : vector<64x2048xf32>
    %reduce_min3A_582 = arith.constant dense<0x7F800000> : vector<64xf32>
    %reduce_min3A_583 = vector.multi_reduction <minimumf>, %add3A_581, %reduce_min3A_582 [1] : vector<64x2048xf32> to vector<64xf32>
    %broadcast_in_dim3A_584 = vector.shape_cast %reduce_min3A_583 : vector<64xf32> to vector<64x1xf32>
    %eq3A_585 = vector.broadcast %broadcast_in_dim3A_584 : vector<64x1xf32> to vector<64x2048xf32>
    %eq3A_586 = arith.cmpf oeq, %add3A_581, %eq3A_585 : vector<64x2048xf32>
    %jit3A_587 = arith.constant 2048 : i32
    %broadcast_in_dim3A_588 = vector.shape_cast %iota3A : vector<1x2048xi32> to vector<1x2048xi32>
    %broadcast_in_dim3A_589 = vector.broadcast %broadcast_in_dim3A_588 : vector<1x2048xi32> to vector<64x2048xi32>
    %broadcast_in_dim3A_590 = vector.broadcast %jit3A_587 : i32 to vector<64x2048xi32>
    %select_n3A_591 = arith.select %eq3A_586, %broadcast_in_dim3A_589, %broadcast_in_dim3A_590 : vector<64x2048xi1>, vector<64x2048xi32>
    %reduce_min3A_592 = arith.constant dense<2147483647> : vector<64xi32>
    %reduce_min3A_593 = vector.multi_reduction <minsi>, %select_n3A_591, %reduce_min3A_592 [1] : vector<64x2048xi32> to vector<64xi32>
    %broadcast_in_dim3A_594 = vector.shape_cast %reduce_min3A_593 : vector<64xi32> to vector<64x1xi32>
    %eq3A_595 = vector.broadcast %iota3A : vector<1x2048xi32> to vector<64x2048xi32>
    %eq3A_596 = vector.broadcast %broadcast_in_dim3A_594 : vector<64x1xi32> to vector<64x2048xi32>
    %eq3A_597 = arith.cmpi eq, %eq3A_595, %eq3A_596 : vector<64x2048xi32>
    %jit3A_598 = arith.constant 0.000000e+00 : f32
    %broadcast_in_dim3A_599 = vector.broadcast %jit3A_598 : f32 to vector<64x2048xf32>
    %select_n3A_600 = arith.select %eq3A_597, %add3A_562, %broadcast_in_dim3A_599 : vector<64x2048xi1>, vector<64x2048xf32>
    %reduce_sum3A_601 = arith.constant dense<0.000000e+00> : vector<64xf32>
    %reduce_sum3A_602 = vector.multi_reduction <add>, %select_n3A_600, %reduce_sum3A_601 [1] : vector<64x2048xf32> to vector<64xf32>
    %broadcast_in_dim3A_603 = vector.shape_cast %reduce_sum3A_602 : vector<64xf32> to vector<64x1xf32>
    %jit3A_604 = arith.constant 0.000000e+00 : f32
    %broadcast_in_dim3A_605 = vector.broadcast %jit3A_604 : f32 to vector<64x2048xf32>
    %select_n3A_606 = arith.select %eq3A_597, %add3A_566, %broadcast_in_dim3A_605 : vector<64x2048xi1>, vector<64x2048xf32>
    %reduce_sum3A_607 = arith.constant dense<0.000000e+00> : vector<64xf32>
    %reduce_sum3A_608 = vector.multi_reduction <add>, %select_n3A_606, %reduce_sum3A_607 [1] : vector<64x2048xf32> to vector<64xf32>
    %broadcast_in_dim3A_609 = vector.shape_cast %reduce_sum3A_608 : vector<64xf32> to vector<64x1xf32>
    %jit3A_610 = arith.constant 0.000000e+00 : f32
    %broadcast_in_dim3A_611 = vector.broadcast %jit3A_610 : f32 to vector<64x2048xf32>
    %select_n3A_612 = arith.select %eq3A_597, %add3A_570, %broadcast_in_dim3A_611 : vector<64x2048xi1>, vector<64x2048xf32>
    %reduce_sum3A_613 = arith.constant dense<0.000000e+00> : vector<64xf32>
    %reduce_sum3A_614 = vector.multi_reduction <add>, %select_n3A_612, %reduce_sum3A_613 [1] : vector<64x2048xf32> to vector<64xf32>
    %broadcast_in_dim3A_615 = vector.shape_cast %reduce_sum3A_614 : vector<64xf32> to vector<64x1xf32>
    %swap3A_616 = arith.constant 3 : index
    %swap3A_617 = arith.constant 0 : index
    %swap3A_618 = arith.constant 0 : index
    %swap3A_619 = arith.constant 0 : index
    %swap3A_620 = vector.load %arg3[%swap3A_616, %swap3A_617, %swap3A_618, %swap3A_619] : memref<4x3x64x1xf32, #tpu.memory_space<vmem>>, vector<1x1x64x1xf32>
    %swap3A_621 = vector.shape_cast %swap3A_620 : vector<1x1x64x1xf32> to vector<64x1xf32>
    %swap3A_622 = vector.shape_cast %broadcast_in_dim3A_603 : vector<64x1xf32> to vector<1x1x64x1xf32>
    tpu.vector_store %arg3[%swap3A_616, %swap3A_617, %swap3A_618, %swap3A_619], %swap3A_622 {strides = array<i32>} : memref<4x3x64x1xf32, #tpu.memory_space<vmem>>, vector<1x1x64x1xf32>,
    %swap3A_623 = arith.constant 3 : index
    %swap3A_624 = arith.constant 1 : index
    %swap3A_625 = arith.constant 0 : index
    %swap3A_626 = arith.constant 0 : index
    %swap3A_627 = vector.load %arg3[%swap3A_623, %swap3A_624, %swap3A_625, %swap3A_626] : memref<4x3x64x1xf32, #tpu.memory_space<vmem>>, vector<1x1x64x1xf32>
    %swap3A_628 = vector.shape_cast %swap3A_627 : vector<1x1x64x1xf32> to vector<64x1xf32>
    %swap3A_629 = vector.shape_cast %broadcast_in_dim3A_609 : vector<64x1xf32> to vector<1x1x64x1xf32>
    tpu.vector_store %arg3[%swap3A_623, %swap3A_624, %swap3A_625, %swap3A_626], %swap3A_629 {strides = array<i32>} : memref<4x3x64x1xf32, #tpu.memory_space<vmem>>, vector<1x1x64x1xf32>,
    %swap3A_630 = arith.constant 3 : index
    %swap3A_631 = arith.constant 2 : index
    %swap3A_632 = arith.constant 0 : index
    %swap3A_633 = arith.constant 0 : index
    %swap3A_634 = vector.load %arg3[%swap3A_630, %swap3A_631, %swap3A_632, %swap3A_633] : memref<4x3x64x1xf32, #tpu.memory_space<vmem>>, vector<1x1x64x1xf32>
    %swap3A_635 = vector.shape_cast %swap3A_634 : vector<1x1x64x1xf32> to vector<64x1xf32>
    %swap3A_636 = vector.shape_cast %broadcast_in_dim3A_615 : vector<64x1xf32> to vector<1x1x64x1xf32>
    tpu.vector_store %arg3[%swap3A_630, %swap3A_631, %swap3A_632, %swap3A_633], %swap3A_636 {strides = array<i32>} : memref<4x3x64x1xf32, #tpu.memory_space<vmem>>, vector<1x1x64x1xf32>,
    return
  }
  func.func @transform_0(%arg0: i32) -> (i32, i32, i32) {
    %c0_i32 = arith.constant 0 : i32
    %c0_i32_0 = arith.constant 0 : i32
    %c0_i32_1 = arith.constant 0 : i32
    return %arg0, %c0_i32, %c0_i32_0 : i32, i32, i32
  }
  func.func @transform_1(%arg0: i32) -> (i32, i32, i32, i32) {
    %c0_i32 = arith.constant 0 : i32
    %c0_i32_0 = arith.constant 0 : i32
    %c0_i32_1 = arith.constant 0 : i32
    %c0_i32_2 = arith.constant 0 : i32
    return %arg0, %c0_i32, %c0_i32_0, %c0_i32_1 : i32, i32, i32, i32
  }
  func.func @transform_2(%arg0: i32) -> (i32, i32, i32, i32) {
    %c0_i32 = arith.constant 0 : i32
    %c0_i32_0 = arith.constant 0 : i32
    %c0_i32_1 = arith.constant 0 : i32
    %c0_i32_2 = arith.constant 0 : i32
    return %arg0, %c0_i32, %c0_i32_0, %c0_i32_1 : i32, i32, i32, i32
  }
}

</mosaic_0001>

<sc_bundles>
// kernel: kernel.4.cloned.1.call-start
scs
__scs_entry_jumppad:
0x0: {  	(pc) =	sbr.rel $0x88, $3  }
0x1: {  	(tag) =	ssettag $0x0;
	lr =	simm.s32 $0x1  }
0x2: {  	[smem:$0x3F9F] =	sst lr;
	_ =	strace $0xD0000000  }
0x3: {  	_ = 	snop  }
0x4: {  	_ = 	snop  }
0x5: {  	_ = 	snop  }
0x6: {  	_ = 	snop  }
0x7: {  	_ = 	snop  }
__scs_overlays_trampoline_lowered:
0x8: {  	[smem:$0x3FAE] =	sst s0  }
0x9: {  	[smem:$0x3FAF] =	sst s1  }
0xa: {  	[smem:$0x3FB0] =	sst s2  }
0xb: {  	[smem:$0x3FB1] =	sst s3  }
0xc: {  	[smem:$0x3FB2] =	sst s4  }
0xd: {  	[smem:$0x3FB3] =	sst s5  }
0xe: {  	[smem:$0x3FB4] =	sst s6  }
0xf: {  	[smem:$0x3FB5] =	sst s7  }
0x10: {  	[smem:$0x3FB6] =	sst s8  }
0x11: {  	[smem:$0x3FB7] =	sst s9;
	s0 =	simm.s32 @!p0 $0x0  }
0x12: {  	s1 =	sld [smem:$0x3F9D];
	s0 =	simm.s32 @p0 $0x1  }
0x13: {  	[smem:$0x3FB8] =	sst s0;
	s0 =	simm.s32 @!p1 $0x0  }
0x14: {  	s2 =	sld [smem:$0x3F9C];
	s0 =	simm.s32 @p1 $0x1  }
0x15: {  	[smem:$0x3FB9] =	sst s0;
	s0 =	simm.s32 @!p2 $0x0  }
0x16: {  	s3 =	sld [smem:$0x3FDB];
	s0 =	simm.s32 @p2 $0x1  }
0x17: {  	s4 =	simm.s32 $0x1BF5;
	[smem:$0x3FBB] =	sst s0  }
0x18: {  	s0 =	sld [smem:$0x3F9E];
	_ =	swait.ge [sflag:s4], $0x0  }
0x19: {  	s7 =	sld [smem:$0x3F9F]  }
0x1a: {  	s8 =	sadd.s32 $0xFFFFE003, lr  }
0x1b: {  	s9 =	sadd.s32 $0xFFFFFEF7, lr;
	s5 =	simm.s32 $0xFFFFFFFF;
	p2 =	slt.u32 s8, $0xFFFFF086  }
0x1c: {  	p1 =	slt.u32 s9, $0xF7A;
	s5 =	simm.s32 @!p2 $0x0  }
0x1d: {  	s5 =	simm.s32 @p1 $0x1;
	p0 =	seq.s32 s7, s2  }
0x1e: {  	s7 =	smul.u32 @!p0 $0xF7A, s2;
	p2 =	seq.s32 @!p0 s5, $0x0  }
0x1f: {  	s9 =	smul.u32 $0xF7A, s1;
	s8 =	simm.s32 @!p0 $0x1BF5;
	p2 =	por !p2, p0  }
0x20: {  	[sflag:s8] =	ssyncset.s32 @!p0 $0xFFFFF086;
	s6 =	sadd.s32 @!p0 s3, s7;
	s7 =	simm.s32 @!p0 $0x108  }
0x21: {  	s3 =	sadd.s32 s3, s9;
	s6 =	sadd.s32 @!p0 $0x88, s6;
	s7 =	simm.s32 @p2 $0x1082  }
0x22: {  	[simem:s7], [sflag:s8] =	dma.local @!p0 [hbm:s6], $0xF7A  }
0x23: {  	s9 =	sor.u32 $0xD0000000, s2;
	s6 =	simm.s32 $0x108;
	_ =	swait.ge @!p0 [sflag:s8], $0x0  }
0x24: {  	s3 =	sadd.s32 $0x88, s3;
	s6 =	simm.s32 @!p1 $0x1082;
	[sflag:s4] =	ssyncset.s32 $0xFFFFF086  }
0x25: {  	[simem:s6], [sflag:s4] =	dma.local [hbm:s3], $0xF7A  }
0x26: {  	[smem:$0x3F9F] =	sst s1;
	(tag) =	ssettag s2;
	_ =	strace s9  }
0x27: {  	s1 =	sld [smem:$0x3FAF]  }
0x28: {  	s2 =	sld [smem:$0x3FB0]  }
0x29: {  	s4 =	sld [smem:$0x3FB2]  }
0x2a: {  	p0 =	seq.s32 s5, $0x0;
	s5 =	sld [smem:$0x3FB3]  }
0x2b: {  	s6 =	sld [smem:$0x3FB4]  }
0x2c: {  	s7 =	sld [smem:$0x3FB5]  }
0x2d: {  	s3 =	simm.s32 $0x108;
	s8 =	sld [smem:$0x3FB6]  }
0x2e: {  	s3 =	simm.s32 @!p0 $0x1082;
	s9 =	sld [smem:$0x3FB7]  }
0x2f: {  	lr =	sadd.s32 s0, s3;
	s0 =	sld [smem:$0x3FAE]  }
0x30: {  	s3 =	sld [smem:$0x3FB1]  }
0x31: {  	[smem:$0x3FBA] =	sst s10  }
0x32: {  	s10 =	sld [smem:$0x3FB8];
	_ =	sdelay $0x3  }
0x33: {  	p0 =	seq.s32 s10, $0x1;
	s10 =	sld [smem:$0x3FBA];
	_ =	sdelay $0x3  }
0x34: {  	[smem:$0x3FBA] =	sst s10  }
0x35: {  	s10 =	sld [smem:$0x3FB9];
	_ =	sdelay $0x3  }
0x36: {  	p1 =	seq.s32 s10, $0x1;
	s10 =	sld [smem:$0x3FBA];
	_ =	sdelay $0x3  }
0x37: {  	[smem:$0x3FBA] =	sst s10  }
0x38: {  	s10 =	sld [smem:$0x3FBB]  }
0x39: {  	_ = 	snop;
	(pc) =	sbr.ind lr, $3  }
0x3a: {  	_ = 	snop  }
0x3b: {  	_ = 	snop  }
0x3c: {  	p2 =	seq.s32 s10, $0x1;
	s10 =	sld [smem:$0x3FBA]  }
0x3d: {  	_ =	shalt  }
0x3e: {  	_ =	shalt  }
0x3f: {  	_ =	shalt  }
0x40: {  	_ =	shalt  }
0x41: {  	_ =	shalt  }
0x42: {  	_ =	shalt  }
0x43: {  	_ =	shalt  }
0x44: {  	_ =	shalt  }
0x45: {  	_ =	shalt  }
0x46: {  	_ =	shalt  }
0x47: {  	_ =	shalt  }
0x48: {  	_ =	shalt  }
0x49: {  	_ =	shalt  }
0x4a: {  	_ =	shalt  }
0x4b: {  	_ =	shalt  }
0x4c: {  	_ =	shalt  }
0x4d: {  	_ =	shalt  }
0x4e: {  	_ =	shalt  }
0x4f: {  	_ =	shalt  }
0x50: {  	_ =	shalt  }
0x51: {  	_ =	shalt  }
0x52: {  	_ =	shalt  }
0x53: {  	_ =	shalt  }
0x54: {  	_ =	shalt  }
0x55: {  	_ =	shalt  }
0x56: {  	_ =	shalt  }
0x57: {  	_ =	shalt  }
0x58: {  	_ =	shalt  }
0x59: {  	_ =	shalt  }
0x5a: {  	_ =	shalt  }
0x5b: {  	_ =	shalt  }
0x5c: {  	_ =	shalt  }
0x5d: {  	_ =	shalt  }
0x5e: {  	_ =	shalt  }
0x5f: {  	_ =	shalt  }
0x60: {  	_ =	shalt  }
0x61: {  	_ =	shalt  }
0x62: {  	_ =	shalt  }
0x63: {  	_ =	shalt  }
0x64: {  	_ =	shalt  }
0x65: {  	_ =	shalt  }
0x66: {  	_ =	shalt  }
0x67: {  	_ =	shalt  }
0x68: {  	_ =	shalt  }
0x69: {  	_ =	shalt  }
0x6a: {  	_ =	shalt  }
0x6b: {  	_ =	shalt  }
0x6c: {  	_ =	shalt  }
0x6d: {  	_ =	shalt  }
0x6e: {  	_ =	shalt  }
0x6f: {  	_ =	shalt  }
0x70: {  	_ =	shalt  }
0x71: {  	_ =	shalt  }
0x72: {  	_ =	shalt  }
0x73: {  	_ =	shalt  }
0x74: {  	_ =	shalt  }
0x75: {  	_ =	shalt  }
0x76: {  	_ =	shalt  }
0x77: {  	_ =	shalt  }
0x78: {  	_ =	shalt  }
0x79: {  	_ =	shalt  }
0x7a: {  	_ =	shalt  }
0x7b: {  	_ =	shalt  }
0x7c: {  	_ =	shalt  }
0x7d: {  	_ =	shalt  }
0x7e: {  	_ =	shalt  }
0x7f: {  	_ =	shalt  }
0x80: {  	_ =	shalt  }
0x81: {  	_ =	shalt  }
0x82: {  	_ =	shalt  }
0x83: {  	_ =	shalt  }
0x84: {  	_ =	shalt  }
0x85: {  	_ =	shalt  }
0x86: {  	_ =	shalt  }
0x87: {  	_ =	shalt  }
.Lfunc_end0:
.L_simem_size_0:
called_computation_lowered:
.L_overlay_start_0:
0x88: {  	s2 =	sld [smem:$0x3FD9]  }
0x89: {  	s3 =	sld [smem:$0x3FFE];
	_ =	sdelay $0x1  }
0x8a: {  	s1 =	srdreg.scid  }
0x8b: {  	s0 =	sand.u32 $0x1, s1  }
0x8c: {  	s17 =	sshll.u32 s0, $0xA;
	s2 =	sadd.s32 s3, s2  }
0x8d: {  	s2 =	sadd.s32 s2, s17  }
0x8e: {  	[smem:$0x3FC6] =	sst s2  }
0x8f: {  	_ = 	snop  }
0x90: {  	s2 =	sld [smem:$0x3FD0];
	(tm) =	ssettm $0x1  }
0x91: {  	s18 =	sld [smem:$0x3FFB];
	_ =	sdelay $0x3  }
0x92: {  	_ =	strace s18  }
0x93: {  	s3 =	sld [smem:$0x3FFC];
	_ =	sdelay $0x3  }
0x94: {  	_ =	strace s3  }
0x95: {  	s3 =	sld [smem:$0x3FFD];
	_ =	sdelay $0x3  }
0x96: {  	_ =	strace s3  }
0x97: {  	_ =	strace $0x8FFFFFFF  }
0x98: {  	s19 =	sld [smem:$0x3FDB];
	_ =	sdelay $0x1  }
0x99: {  	s4 =	simm.s32 $_scs_section_size  }
0x9a: {  	s5 =	simm.s32 $_size__tile_overlayer_lowered;
	s6 =	simm.s32 $_tile_overlayer_lowered  }
0x9b: {  	s22 =	simm.s32 $0x1BFF;
	s21 =	sshll.u32 s6, $0x1;
	s3 =	sadd.s32 s4, s19  }
0x9c: {  	s7 =	simm.s32 $0x0;
	s20 =	sshll.u32 s5, $0x1;
	s5 =	sadd.s32 s21, s3  }
0x9d: {  	[timem:s7], [sflag:s22] =	dma.local [hbm:s5], s20  }
0x9e: {  	_ =	swait.ge [sflag:s22], s20  }
0x9f: {  	s4 =	ssub.s32 $0x0, s20;
	[sflag:s22] =	ssyncset.done $0x0  }
0xa0: {  	[sflag:s22] =	ssyncadd.s32 s4;
	_ =	sdelay $0x1  }
0xa1: {  	s23 =	simm.s32 $0x1B8B  }
0xa2: {  	_ =	swait.ge [sflag:s23], $0x1  }
0xa3: {  	[sflag:s23] =	ssyncset.done $0x0  }
0xa4: {  	s25 =	simm.s32 $0x1B8E;
	s24 =	sld [smem:$0x3FFE];
	[sflag:s23] =	ssyncadd.s32 $0xFFFFFFFF  }
0xa5: {  	s26 =	simm.s32 $execute0_lowered;
	[smem:$0x3FD2] =	sst s25  }
0xa6: {  	s5 =	sshll.u32 s26, $0x1;
	_ =	strace $0x80000046;
	[dreg:$0x1] =	wrdreg $0xFFFFFFFF  }
0xa7: {  	s28 =	simm.s32 $_size_execute0_lowered;
	s3 =	sadd.s32 s3, s5;
	[dreg:$0x0] =	wrdreg $0x0  }
0xa8: {  	s5 =	sshll.u32 s28, $0x1;
	[dreg:$0x2] =	wrdreg s3  }
0xa9: {  	[dreg:$0x3] =	wrdreg s5  }
0xaa: {  	[dreg:$0x4] =	wrdreg $0xC0  }
0xab: {  	_ =	task [dreg:s7], $0x5FFFF  }
0xac: {  	[dreg:$0x1] =	wrdreg $0xFFFFFFFF  }
0xad: {  	[dreg:$0x0] =	wrdreg $0x60  }
0xae: {  	[dreg:$0x2] =	wrdreg s24  }
0xaf: {  	[dreg:$0x3] =	wrdreg s2  }
0xb0: {  	[dreg:$0x4] =	wrdreg $0x1B000  }
0xb1: {  	[dreg:$0x5] =	wrdreg $0x9  }
0xb2: {  	_ =	task.clear_ibuf [dreg:s7], $0x6FFFF;
	_ =	strace $0x90000046  }
0xb3: {  	s29 =	simm.s32 $0x9;
	_ =	strace $0x80000048  }
0xb4: {  	_ =	swait.ge [sflag:s29], $0x1  }
0xb5: {  	[sflag:s29] =	ssyncadd.s32 $0xFFFFFFFF  }
0xb6: {  	_ =	strace $0x90000048  }
0xb7: {  	_ =	sfence  }
0xb8: {  	s30 =	sld [smem:$0x0];
	_ =	sdelay $0x2  }
0xb9: {  	s31 =	sshll.u32 s1, $0xD;
	s1 =	sshrl.u32 s1, $0x2  }
0xba: {  	s3 =	sand.u32 $0x4000, s31;
	s1 =	sadd.s32 s1, s30  }
0xbb: {  	s0 =	sor.u32 s3, s0;
	s1 =	sshll.u32 s1, $0x11  }
0xbc: {  	s0 =	sor.u32 s1, s0  }
0xbd: {  	s0 =	sadd.s32 $0x8F2B, s0  }
0xbe: {  	[sflag:s0] =	ssyncadd.remote.s32 $0x1  }
0xbf: {  	_ =	sfence.sel $0xFFFF  }
0xc0: {  	[dreg:$0x0] =	wrdreg $0xFFFFFFFF;
	(pc) =	sbr.abs _section_cstart, $3  }
0xc1: {  	[dreg:$0x1] =	wrdreg $0xFFFFFFFF  }
0xc2: {  	_ =	task.clear_ibuf [dreg:s7], $0x2FFFF;
	_ =	strace $0x9FFFFFFF  }
0xc3: {  	(tm) =	ssettm $0x7FFFFFFF  }
tec
execute0_lowered:
.L_overlay_start_1:
0x0: {  	(tag) =	ssettag $0x1  }
0x1: {  	s3 =	rddreg [dreg:$0x0]  }
0x2: {  	s4 =	rddreg [dreg:$0x1]  }
0x3: {  	s5 =	rddreg [dreg:$0x2]  }
0x4: {  	s0 =	rddreg [dreg:$0x3];
	s6 =	srdreg.scid;
	s2 =	simm.s32 $0x0  }
0x5: {  	s1 =	stileid.u32;
	s11 =	simm.s32 $0x1;
	s12 =	simm.s32 $0x1800  }
0x6: {  	s15 =	simm.s32 $0x1900;
	s16 =	simm.s32 $0x0;
	s6 =	sand.u32 $0x1, s6  }
0x7: {  	[smem:$0x7FF] =	sst s2;
	s8 =	sshll.u32 s1, $0x6;
	s13 =	sand.u32 $0x1, s1  }
0x8: {  	s31 =	sshll.u32 s1, $0x7;
	s7 =	smul.u32 $0xC000, s6;
	_ =	strace $0x80000047  }
0x9: {  	s8 =	sand.u32 $0x380, s8;
	s9 =	sshll.u32 s6, $0xB;
	s6 =	ssub.s32 $0x2, s6  }
0xa: {  	s14 =	sshll.u32 s13, $0xA;
	s5 =	sadd.s32 s31, s5;
	p0 =	sne.s32 s13, $0x0  }
0xb: {  	s13 =	simm.s32 $0x1A00;
	s30 =	sshrl.u32 s6, $0x1;
	v0 =	vmov s14;
	s14 =	simm.s32 $0x1A80  }
.Ltmp0:
0xc: {  	s7 =	sor.u32 s7, s8;
	s8 =	sor.u32 s9, s8;
	(pc) =	sbr.rel .LBB2_1-.Ltmp0, $4  }
0xd: {  	s9 =	ssub.s32 s6, s30;
	s7 =	sshrl.u32 s7, $0x3;
	s8 =	sshrl.u32 s8, $0x3  }
0xe: {  	s6 =	sadd.s32 $0x80, s5;
	s7 =	sadd.s32 s7, s3;
	s10 =	sadd.s32 s8, s3  }
0xf: {  	s4 =	sadd.s32 s4, s8;
	s8 =	smax.u32 s9, $0x1;
	s9 =	simm.s32 $0x80  }
0x10: {  	s3 =	sadd.s32 $0xA00, s7;
	s7 =	sadd.s32 $0x3A00, s10;
	s10 =	simm.s32 $0x400  }
.LBB2_7:
0x11: {  	s16 =	sadd.s32 $0x1, s16  }
0x12: {  	p1 =	sne.s32 s16, s8  }
.Ltmp1:
0x13: {  	_ = 	snop;
	(pc) =	sbr.rel @!p1 .LBB2_8-.Ltmp1, $1  }
0x14: {  	_ =	sdelay $0x3  }
.LBB2_1:
0x15: {  	[tilespmem:s2], [sflag:$0x1] =	stream.strided.gather [hbm4b:s3+s9], $0x1800, s10, s9, $0x38;
	[tilespmem:$0x1B80] =	vst v63  }
0x16: {  	_ =	swait.ge [sflag:s11], $0x1800  }
0x17: {  	[sflag:s11] =	ssyncset.done $0x0  }
0x18: {  	[sflag:s11] =	ssyncadd.s32 $0xFFFFE800  }
0x19: {  	[tilespmem:s12], [sflag:$0x1] =	stream.strided.gather [hbm4b:s4+s9], $0x100, s10, s9, $0x38;
	[tilespmem:$0x1B80] =	vst v63  }
0x1a: {  	_ =	swait.ge [sflag:s11], $0x100  }
0x1b: {  	[sflag:s11] =	ssyncset.done $0x0  }
0x1c: {  	[sflag:s11] =	ssyncadd.s32 $0xFFFFFF00  }
0x1d: {  	v13 =	vld [tilespmem:$0x1800]  }
0x1e: {  	v8 =	vld [tilespmem:$0x1810]  }
0x1f: {  	v4 =	vld [tilespmem:$0x1820]  }
0x20: {  	v1 =	vld [tilespmem:$0x1830]  }
0x21: {  	v14 =	vld [tilespmem:$0x1840]  }
0x22: {  	v10 =	vld [tilespmem:$0x1850]  }
0x23: {  	v5 =	vld [tilespmem:$0x1860]  }
0x24: {  	v2 =	vld [tilespmem:$0x1870]  }
0x25: {  	v15 =	vld [tilespmem:$0x1880]  }
0x26: {  	v9 =	vimm.f32 $+Inf;
	v6 =	vimm.s32 $0x0;
	v11 =	vld [tilespmem:$0x1890]  }
0x27: {  	v12 =	vimm.s32 $0x0;
	v17 =	vimm.s32 $0x0;
	v21 =	vimm.s32 $0x0;
	v7 =	vld [tilespmem:$0x18A0]  }
0x28: {  	v16 =	vimm.f32 $+Inf;
	v18 =	vimm.f32 $+Inf;
	v22 =	vimm.f32 $+Inf;
	v20 =	vmovc v0;
	s17 =	simm.s32 $0x0;
	v3 =	vld [tilespmem:$0x18B0]  }
.LBB2_2:
0x29: {  	v23 =	vadd.s32 $0x800, v20  }
0x2a: {  	v19 =	vadd.s32 $0x1, v20  }
0x2b: {  	v24 =	vadd.s32 $0x801, v20  }
0x2c: {  	v26 =	vadd.s32 $0x1000, v20  }
0x2d: {  	v28 =	vld.idx.msk [tilespmem:v20+s2+$0x0], $0xffff;
	v29 =	vadd.s32 $0x1001, v20  }
0x2e: {  	v23 =	vld.idx.msk [tilespmem:v23+s2+$0x0], $0xffff  }
0x2f: {  	v27 =	vld.idx.msk [tilespmem:v19+s2+$0x0], $0xffff  }
0x30: {  	v25 =	vld.idx.msk [tilespmem:v24+s2+$0x0], $0xffff  }
0x31: {  	v26 =	vld.idx.msk [tilespmem:v26+s2+$0x0], $0xffff  }
0x32: {  	v24 =	vld.idx.msk [tilespmem:v29+s2+$0x0], $0xffff;
	_ =	sdelay $0x2  }
0x33: {  	v33 =	vsub.f32 v27, v28;
	v35 =	vsub.f32 v25, v23;
	_ =	sdelay $0x1  }
0x34: {  	v34 =	vsub.f32 v24, v26;
	v29 =	vmul.f32 v33, v33;
	v30 =	vmul.f32 v35, v35;
	_ =	sdelay $0x1  }
0x35: {  	v29 =	vadd.f32 v30, v29;
	v30 =	vmul.f32 v34, v34  }
0x36: {  	v36 =	vsub.f32 v13, v28;
	v37 =	vsub.f32 v8, v28  }
0x37: {  	v38 =	vsub.f32 v4, v28;
	v30 =	vadd.f32 v30, v29  }
0x38: {  	v39 =	vsub.f32 v1, v28;
	v40 =	vsub.f32 v15, v26  }
0x39: {  	v41 =	vsub.f32 v14, v23;
	v42 =	vsub.f32 v11, v26;
	v30 =	vmax.f32 v30, $9.999999960e-13  }
0x3a: {  	v43 =	vsub.f32 v10, v23;
	v29 =	vadd.s32 $0x1, v19;
	(erf) = vrcp.f32 v30  }
0x3b: {  	v44 =	vsub.f32 v5, v23;
	v31 =	vmul.f32 v33, v36;
	v28 =	vmul.f32 v33, v37  }
0x3c: {  	v48 =	vsub.f32 v2, v23;
	v32 =	vmul.f32 v33, v38;
	v45 =	vmul.f32 v33, v39  }
0x3d: {  	v50 =	vsub.f32 v7, v26;
	v46 =	vmul.f32 v34, v40;
	v47 =	vmul.f32 v34, v42  }
0x3e: {  	v26 =	vsub.f32 v3, v26;
	v23 =	vmul.f32 v35, v41;
	v49 =	vmul.f32 v35, v43  }
0x3f: {  	v51 =	vmul.f32 v35, v44;
	v52 =	vmul.f32 v35, v48;
	v30 =	vld.idx.msk [tilespmem:v29+s2+$0x0], $0xffff  }
0x40: {  	v55 =	vmul.f32 v34, v26;
	v23 =	vadd.f32 v23, v31;
	v28 =	vadd.f32 v49, v28  }
0x41: {  	v31 =	vmul.f32 v34, v50;
	v32 =	vadd.f32 v51, v32;
	v45 =	vadd.f32 v52, v45  }
0x42: {  	v56 =	vadd.s32 $0x801, v19;
	v46 =	vadd.f32 v46, v23;
	v28 =	vadd.f32 v47, v28  }
0x43: {  	v31 =	vadd.f32 v31, v32;
	v57 =	vadd.f32 v55, v45;
	v58 =	vpop (erf)  }
0x44: {  	v23 =	vsub.f32 v30, v27;
	v46 =	vmul.f32 v58, v46;
	v28 =	vmul.f32 v58, v28  }
0x45: {  	v59 =	vmul.f32 v58, v31;
	v45 =	vmul.f32 v58, v57  }
0x46: {  	v32 =	vmul.f32 v23, v23;
	v46 =	vmax.f32 v46, $0.0e+00  }
0x47: {  	v31 =	vld.idx.msk [tilespmem:v56+s2+$0x0], $0xffff;
	v28 =	vmax.f32 v28, $0.0e+00;
	v47 =	vmax.f32 v59, $0.0e+00;
	v45 =	vmax.f32 v45, $0.0e+00  }
0x48: {  	v46 =	vmin.f32 v46, $1.000000000e+00;
	v60 =	vmin.f32 v28, $1.000000000e+00;
	v47 =	vmin.f32 v47, $1.000000000e+00  }
0x49: {  	v45 =	vmin.f32 v45, $1.000000000e+00;
	v61 =	vmul.f32 v46, v34;
	v62 =	vmul.f32 v60, v34  }
0x4a: {  	v53 =	vmul.f32 v47, v34;
	v54 =	vmul.f32 v45, v34  }
0x4b: {  	v55 =	vadd.s32 $0x1001, v19;
	v63 =	vmul.f32 v46, v33;
	v46 =	vmul.f32 v46, v35  }
0x4c: {  	v56 =	vmul.f32 v60, v33;
	v49 =	vmul.f32 v60, v35;
	v28 =	vsub.f32 v31, v25  }
0x4d: {  	v57 =	vmul.f32 v47, v33;
	v40 =	vsub.f32 v40, v61;
	v42 =	vsub.f32 v42, v62  }
0x4e: {  	v47 =	vmul.f32 v47, v35;
	v58 =	vsub.f32 v36, v63;
	v34 =	vsub.f32 v50, v53  }
0x4f: {  	v35 =	vmul.f32 v45, v35;
	v41 =	vsub.f32 v41, v46;
	v59 =	vsub.f32 v37, v56  }
0x50: {  	v33 =	vmul.f32 v45, v33;
	v43 =	vsub.f32 v43, v49;
	v38 =	vsub.f32 v38, v57  }
0x51: {  	v35 =	vsub.f32 v48, v35;
	v37 =	vmul.f32 v40, v40;
	v36 =	vmul.f32 v42, v42  }
0x52: {  	v60 =	vsub.f32 v44, v47;
	v61 =	vmul.f32 v58, v58;
	v62 =	vmul.f32 v41, v41  }
0x53: {  	v63 =	vsub.f32 v39, v33;
	v39 =	vmul.f32 v59, v59;
	v40 =	vmul.f32 v43, v43  }
0x54: {  	v33 =	vld.idx.msk [tilespmem:v55+s2+$0x0], $0xffff;
	v41 =	vmul.f32 v38, v38;
	v42 =	vmul.f32 v60, v60;
	v38 =	vsub.f32 v26, v54  }
0x55: {  	s18 =	simm.s32 $0x3D;
	v44 =	vmul.f32 v63, v63;
	v45 =	vmul.f32 v35, v35;
	v43 =	vadd.f32 v62, v61;
	v35 =	vmovc v28  }
.LBB2_3:
0x56: {  	v26 =	vmov v29  }
0x57: {  	p1 =	sne.s32 s18, $0x1;
	v39 =	vadd.f32 v40, v39;
	v40 =	vadd.f32 v42, v41;
	v34 =	vmul.f32 v34, v34;
	v41 =	vmovc v29  }
0x58: {  	v38 =	vmul.f32 v38, v38;
	v37 =	vadd.f32 v43, v37;
	v42 =	vadd.f32 v45, v44  }
0x59: {  	v35 =	vmul.f32 v35, v28;
	v43 =	vsub.f32 v33, v24;
	v36 =	vadd.f32 v39, v36  }
0x5a: {  	v34 =	vadd.f32 v40, v34;
	vm2 =	vlt.f32 v37, v22;
	v38 =	vadd.f32 v42, v38  }
0x5b: {  	v32 =	vadd.f32 v35, v32;
	v35 =	vmul.f32 v43, v43;
	v22 =	vsel vm2, v37, v22  }
0x5c: {  	vm3 =	vlt.f32 v36, v18;
	vm1 =	vlt.f32 v34, v16;
	vm0 =	vlt.f32 v38, v9  }
0x5d: {  	v18 =	vsel vm3, v36, v18;
	v16 =	vsel vm1, v34, v16;
	v9 =	vsel vm0, v38, v9  }
0x5e: {  	v29 =	vadd.s32 $0x1, v29;
	v32 =	vadd.f32 v35, v32;
	v34 =	vsub.f32 v13, v27  }
0x5f: {  	v37 =	vsub.f32 v4, v27;
	v35 =	vadd.s32 $0x801, v41;
	v36 =	vsub.f32 v8, v27  }
0x60: {  	v39 =	vsub.f32 v1, v27;
	v27 =	vmovc v30;
	v32 =	vmax.f32 v32, $9.999999960e-13;
	v38 =	vmul.f32 v23, v34  }
0x61: {  	v40 =	vsub.f32 v15, v24;
	v42 =	vmul.f32 v23, v36;
	(erf) = vrcp.f32 v32  }
0x62: {  	v44 =	vsub.f32 v14, v25;
	v45 =	vsub.f32 v11, v24;
	v32 =	vmul.f32 v23, v37  }
0x63: {  	v46 =	vsub.f32 v10, v25;
	v47 =	vsub.f32 v5, v25;
	v48 =	vmul.f32 v23, v39  }
0x64: {  	v51 =	vsub.f32 v2, v25;
	v25 =	vmovc v31;
	v50 =	vmul.f32 v43, v45;
	v49 =	vmul.f32 v43, v40  }
0x65: {  	v53 =	vsub.f32 v7, v24;
	v52 =	vmul.f32 v28, v46;
	v31 =	vmul.f32 v28, v44;
	v30 =	vld.idx.msk [tilespmem:v29+s2+$0x0], $0xffff  }
0x66: {  	v55 =	vsub.f32 v3, v24;
	v54 =	vmul.f32 v28, v47;
	v56 =	vmul.f32 v28, v51;
	v24 =	vmovc v33  }
0x67: {  	v31 =	vadd.f32 v31, v38;
	v33 =	vadd.f32 v52, v42;
	v38 =	vmul.f32 v43, v53  }
0x68: {  	v52 =	vadd.f32 v56, v48;
	v48 =	vmul.f32 v43, v55;
	v32 =	vadd.f32 v54, v32  }
0x69: {  	v21 =	vsel vm2, v20, v21;
	v31 =	vadd.f32 v49, v31;
	v33 =	vadd.f32 v50, v33  }
0x6a: {  	v17 =	vsel vm3, v20, v17;
	v32 =	vadd.f32 v38, v32;
	v38 =	vadd.f32 v48, v52;
	v42 =	vpop (erf)  }
0x6b: {  	v48 =	vsub.f32 v30, v27;
	v49 =	vmul.f32 v42, v31;
	v33 =	vmul.f32 v42, v33  }
0x6c: {  	v12 =	vsel vm1, v20, v12;
	v50 =	vmul.f32 v42, v32;
	v38 =	vmul.f32 v42, v38  }
0x6d: {  	v6 =	vsel vm0, v20, v6;
	v20 =	vmovc v19;
	v32 =	vmul.f32 v48, v48;
	v31 =	vld.idx.msk [tilespmem:v35+s2+$0x0], $0xffff;
	v35 =	vmax.f32 v49, $0.0e+00  }
0x6e: {  	v19 =	vmovc v41;
	v33 =	vmax.f32 v33, $0.0e+00;
	v42 =	vmax.f32 v50, $0.0e+00;
	v38 =	vmax.f32 v38, $0.0e+00  }
0x6f: {  	v35 =	vmin.f32 v35, $1.000000000e+00;
	v33 =	vmin.f32 v33, $1.000000000e+00;
	v41 =	vmin.f32 v42, $1.000000000e+00  }
0x70: {  	v38 =	vmin.f32 v38, $1.000000000e+00;
	v42 =	vmul.f32 v35, v43;
	v49 =	vmul.f32 v33, v43  }
0x71: {  	v50 =	vmul.f32 v41, v43;
	v43 =	vmul.f32 v38, v43  }
0x72: {  	v52 =	vadd.s32 $0x1001, v19;
	v54 =	vmul.f32 v35, v23;
	v56 =	vmul.f32 v35, v28  }
0x73: {  	v57 =	vmul.f32 v33, v23;
	v33 =	vmul.f32 v33, v28;
	v35 =	vsub.f32 v31, v25  }
0x74: {  	v40 =	vsub.f32 v40, v42;
	v42 =	vsub.f32 v45, v49;
	v45 =	vmul.f32 v41, v23  }
0x75: {  	v49 =	vsub.f32 v34, v54;
	v41 =	vmul.f32 v41, v28;
	v34 =	vsub.f32 v53, v50  }
0x76: {  	v44 =	vsub.f32 v44, v56;
	v50 =	vsub.f32 v36, v57;
	v53 =	vmul.f32 v38, v23;
	v23 =	vmovc v48  }
0x77: {  	v46 =	vsub.f32 v46, v33;
	v38 =	vmul.f32 v38, v28;
	v45 =	vsub.f32 v37, v45;
	v28 =	vmovc v35  }
.Ltmp2:
0x78: {  	v37 =	vmul.f32 v40, v40;
	v36 =	vmul.f32 v42, v42;
	v42 =	vsub.f32 v47, v41;
	(pc) =	sbr.rel @p1 .LBB2_3-.Ltmp2, $4  }
0x79: {  	v47 =	vmul.f32 v49, v49;
	v44 =	vmul.f32 v44, v44;
	v48 =	vsub.f32 v39, v53;
	v33 =	vld.idx.msk [tilespmem:v52+s2+$0x0], $0xffff  }
0x7a: {  	v39 =	vmul.f32 v50, v50;
	v40 =	vmul.f32 v46, v46;
	v46 =	vsub.f32 v51, v38  }
0x7b: {  	v38 =	vsub.f32 v55, v43;
	v41 =	vmul.f32 v45, v45;
	v42 =	vmul.f32 v42, v42  }
0x7c: {  	s18 =	sadd.s32 $0xFFFFFFFF, s18;
	v43 =	vadd.f32 v44, v47;
	v44 =	vmul.f32 v48, v48;
	v45 =	vmul.f32 v46, v46  }
0x7d: {  	v29 =	vadd.f32 v40, v39;
	v30 =	vadd.f32 v42, v41  }
0x7e: {  	v31 =	vmul.f32 v34, v34;
	v34 =	vsub.f32 v13, v27;
	v39 =	vsub.f32 v15, v24  }
0x7f: {  	v53 =	vmul.f32 v35, v28;
	v41 =	vsub.f32 v11, v24;
	v33 =	vsub.f32 v33, v24  }
0x80: {  	v49 =	vsub.f32 v7, v24;
	v54 =	vadd.f32 v43, v37  }
0x81: {  	v55 =	vadd.f32 v45, v44;
	v32 =	vadd.f32 v53, v32;
	v56 =	vmul.f32 v33, v33  }
0x82: {  	v37 =	vsub.f32 v4, v27;
	v43 =	vsub.f32 v10, v25  }
0x83: {  	v44 =	vsub.f32 v5, v25;
	v32 =	vadd.f32 v56, v32  }
0x84: {  	v38 =	vmul.f32 v38, v38;
	v24 =	vsub.f32 v3, v24;
	v29 =	vadd.f32 v29, v36  }
0x85: {  	v30 =	vadd.f32 v30, v31;
	v57 =	vmul.f32 v23, v34;
	v32 =	vmax.f32 v32, $9.999999960e-13  }
0x86: {  	v36 =	vsub.f32 v8, v27;
	v59 =	vmul.f32 v23, v37;
	(erf) = vrcp.f32 v32  }
0x87: {  	v27 =	vsub.f32 v1, v27;
	v46 =	vmul.f32 v33, v39;
	v48 =	vmul.f32 v28, v43  }
0x88: {  	v50 =	vmul.f32 v28, v44;
	v62 =	vmul.f32 v33, v41;
	v32 =	vsub.f32 v14, v25  }
0x89: {  	v63 =	vmul.f32 v33, v49;
	v51 =	vmul.f32 v33, v24;
	v25 =	vsub.f32 v2, v25  }
0x8a: {  	v31 =	vadd.f32 v55, v38;
	v58 =	vmul.f32 v23, v36;
	v47 =	vmul.f32 v28, v32  }
0x8b: {  	vm2 =	vlt.f32 v54, v22;
	v60 =	vmul.f32 v23, v27;
	v61 =	vmul.f32 v28, v25  }
0x8c: {  	v22 =	vsel vm2, v54, v22;
	v40 =	vadd.f32 v48, v58;
	v38 =	vadd.f32 v47, v57  }
0x8d: {  	vm3 =	vlt.f32 v29, v18;
	v42 =	vadd.f32 v50, v59;
	v45 =	vadd.f32 v61, v60  }
0x8e: {  	vm0 =	vlt.f32 v30, v16;
	v53 =	vadd.f32 v62, v40;
	v52 =	vadd.f32 v46, v38  }
0x8f: {  	v21 =	vsel vm2, v20, v21;
	v54 =	vadd.f32 v63, v42;
	v55 =	vadd.f32 v51, v45;
	v56 =	vpop (erf)  }
0x90: {  	vm1 =	vlt.f32 v31, v9;
	v35 =	vmul.f32 v56, v52;
	v38 =	vmul.f32 v56, v53  }
0x91: {  	v18 =	vsel vm3, v29, v18;
	v40 =	vmul.f32 v56, v54;
	v42 =	vmul.f32 v56, v55  }
0x92: {  	v16 =	vsel vm0, v30, v16;
	v57 =	vmax.f32 v35, $0.0e+00;
	v58 =	vmax.f32 v38, $0.0e+00  }
0x93: {  	v59 =	vmax.f32 v40, $0.0e+00;
	v60 =	vmax.f32 v42, $0.0e+00;
	v29 =	vmin.f32 v57, $1.000000000e+00  }
0x94: {  	v30 =	vmin.f32 v58, $1.000000000e+00;
	v35 =	vmin.f32 v59, $1.000000000e+00;
	v61 =	vmul.f32 v29, v33  }
0x95: {  	v38 =	vmin.f32 v60, $1.000000000e+00;
	v62 =	vmul.f32 v30, v33;
	v63 =	vmul.f32 v35, v33  }
0x96: {  	v17 =	vsel vm3, v20, v17;
	v33 =	vmul.f32 v38, v33;
	v48 =	vmul.f32 v29, v23  }
0x97: {  	v9 =	vsel vm1, v31, v9;
	v29 =	vmul.f32 v29, v28;
	v50 =	vmul.f32 v30, v23  }
0x98: {  	v30 =	vmul.f32 v30, v28;
	v52 =	vmul.f32 v35, v23;
	v39 =	vsub.f32 v39, v61  }
0x99: {  	v35 =	vmul.f32 v35, v28;
	v51 =	vsub.f32 v41, v62;
	v34 =	vsub.f32 v34, v48  }
0x9a: {  	v23 =	vmul.f32 v38, v23;
	v29 =	vsub.f32 v32, v29;
	v53 =	vsub.f32 v36, v50  }
0x9b: {  	v55 =	vmul.f32 v38, v28;
	v30 =	vsub.f32 v43, v30;
	v54 =	vsub.f32 v37, v52  }
0x9c: {  	v35 =	vsub.f32 v44, v35;
	v56 =	vmul.f32 v39, v39;
	v57 =	vmul.f32 v51, v51  }
0x9d: {  	v23 =	vsub.f32 v27, v23;
	v34 =	vmul.f32 v34, v34;
	v29 =	vmul.f32 v29, v29  }
0x9e: {  	v25 =	vsub.f32 v25, v55;
	v58 =	vmul.f32 v53, v53;
	v30 =	vmul.f32 v30, v30  }
0x9f: {  	v31 =	vsub.f32 v49, v63;
	v59 =	vmul.f32 v54, v54;
	v60 =	vmul.f32 v35, v35  }
0xa0: {  	v24 =	vsub.f32 v24, v33;
	v23 =	vmul.f32 v23, v23;
	v25 =	vmul.f32 v25, v25  }
0xa1: {  	v61 =	vmul.f32 v31, v31;
	v29 =	vadd.f32 v29, v34;
	v27 =	vadd.f32 v30, v58  }
0xa2: {  	v24 =	vmul.f32 v24, v24;
	v28 =	vadd.f32 v60, v59;
	v23 =	vadd.f32 v25, v23  }
0xa3: {  	s17 =	sadd.s32 $0x1, s17;
	v12 =	vsel vm0, v20, v12;
	v29 =	vadd.f32 v29, v56;
	v62 =	vadd.f32 v27, v57  }
0xa4: {  	p1 =	sne.s32 s17, $0x10;
	v6 =	vsel vm1, v20, v6;
	v63 =	vadd.f32 v28, v61;
	v20 =	vadd.f32 v23, v24  }
.Ltmp3:
0xa5: {  	vm12 =	vlt.f32 v29, v22;
	(pc) =	sbr.rel @p1 .LBB2_2-.Ltmp3, $4  }
0xa6: {  	vm13 =	vlt.f32 v62, v18;
	vm14 =	vlt.f32 v63, v16;
	vm15 =	vlt.f32 v20, v9  }
0xa7: {  	v22 =	vsel vm12, v29, v22;
	v18 =	vsel vm13, v62, v18;
	v16 =	vsel vm14, v63, v16  }
0xa8: {  	v9 =	vsel vm15, v20, v9;
	v21 =	vsel vm12, v19, v21;
	v17 =	vsel vm13, v19, v17  }
0xa9: {  	v12 =	vsel vm14, v19, v12;
	v6 =	vsel vm15, v19, v6;
	v20 =	vadd.s32 $0x2, v26  }
0xaa: {  	[tilespmem:$0x1A00] =	vst v22  }
0xab: {  	[tilespmem:$0x1A40] =	vst v21  }
0xac: {  	[tilespmem:$0x1A10] =	vst v18  }
0xad: {  	[tilespmem:$0x1A50] =	vst v17  }
0xae: {  	[tilespmem:$0x1A20] =	vst v16  }
0xaf: {  	[tilespmem:$0x1A60] =	vst v12  }
0xb0: {  	[tilespmem:$0x1A30] =	vst v9  }
0xb1: {  	[tilespmem:$0x1A70] =	vst v6  }
0xb2: {  	[spmem:s5] =	stream.linear.scatter [tilespmem:s13], [sflag:$0x1], $0x80, $0x38;
	[tilespmem:$0x1B80] =	vst v63  }
.Ltmp4:
0xb3: {  	_ =	swait.ge [sflag:s11], $0x80;
	(pc) =	sbr.rel @p0 .LBB2_7-.Ltmp4, $3  }
0xb4: {  	[sflag:s11] =	ssyncset.done $0x0  }
0xb5: {  	[sflag:s11] =	ssyncadd.s32 $0xFFFFFF80  }
0xb6: {  	[bflag:$0x0] =	sbarrier.arrive $0xFFFF;
	_ =	sdelay $0x1  }
0xb7: {  	[tilespmem:s14], [sflag:$0x1] =	stream.linear.gather [spmem:s6], $0x80, $0x38;
	[tilespmem:$0x1B80] =	vst v63  }
0xb8: {  	_ =	swait.ge [sflag:s11], $0x80  }
0xb9: {  	[sflag:s11] =	ssyncset.done $0x0  }
0xba: {  	[sflag:s11] =	ssyncadd.s32 $0xFFFFFF80  }
0xbb: {  	v19 =	vld [tilespmem:$0x1A80]  }
0xbc: {  	v20 =	vld [tilespmem:$0x1AC0];
	_ =	sdelay $0x3  }
0xbd: {  	vm0 =	vlt.f32 v19, v22  }
0xbe: {  	v19 =	vsel vm0, v20, v21  }
0xbf: {  	v20 =	vadd.s32 $0x800, v19  }
0xc0: {  	v21 =	vadd.s32 $0x1, v19  }
0xc1: {  	v59 =	vadd.s32 $0x801, v19  }
0xc2: {  	v23 =	vadd.s32 $0x1000, v19  }
0xc3: {  	v24 =	vld.idx.msk [tilespmem:v19+s2+$0x0], $0xffff;
	v19 =	vadd.s32 $0x1001, v19  }
0xc4: {  	v20 =	vld.idx.msk [tilespmem:v20+s2+$0x0], $0xffff  }
0xc5: {  	v21 =	vld.idx.msk [tilespmem:v21+s2+$0x0], $0xffff  }
0xc6: {  	v22 =	vld.idx.msk [tilespmem:v59+s2+$0x0], $0xffff  }
0xc7: {  	v23 =	vld.idx.msk [tilespmem:v23+s2+$0x0], $0xffff  }
0xc8: {  	v19 =	vld.idx.msk [tilespmem:v19+s2+$0x0], $0xffff;
	_ =	sdelay $0x2  }
0xc9: {  	v21 =	vsub.f32 v21, v24;
	v22 =	vsub.f32 v22, v20;
	_ =	sdelay $0x1  }
0xca: {  	v25 =	vmul.f32 v21, v21;
	v26 =	vmul.f32 v22, v22;
	v19 =	vsub.f32 v19, v23;
	_ =	sdelay $0x1  }
0xcb: {  	v25 =	vadd.f32 v26, v25;
	v60 =	vmul.f32 v19, v19;
	_ =	sdelay $0x1  }
0xcc: {  	v25 =	vadd.f32 v60, v25;
	_ =	sdelay $0x1  }
0xcd: {  	v25 =	vmax.f32 v25, $9.999999960e-13  }
0xce: {  	(erf) = vrcp.f32 v25;
	_ =	sdelay $0x1  }
0xcf: {  	v13 =	vsub.f32 v13, v24;
	v14 =	vsub.f32 v14, v20;
	_ =	sdelay $0x1  }
0xd0: {  	v15 =	vsub.f32 v15, v23;
	v13 =	vmul.f32 v21, v13;
	v14 =	vmul.f32 v22, v14;
	_ =	sdelay $0x1  }
0xd1: {  	v13 =	vadd.f32 v14, v13;
	v61 =	vmul.f32 v19, v15;
	_ =	sdelay $0x1  }
0xd2: {  	v13 =	vadd.f32 v61, v13  }
0xd3: {  	v62 =	vpop (erf)  }
0xd4: {  	v63 =	vld [tilespmem:$0x1A90];
	v13 =	vmul.f32 v62, v13  }
0xd5: {  	v25 =	vld [tilespmem:$0x1AD0]  }
0xd6: {  	v13 =	vmax.f32 v13, $0.0e+00  }
0xd7: {  	v13 =	vmin.f32 v13, $1.000000000e+00  }
0xd8: {  	v21 =	vmul.f32 v13, v21  }
0xd9: {  	vm13 =	vlt.f32 v63, v18;
	v22 =	vmul.f32 v13, v22  }
0xda: {  	v15 =	vsel vm13, v25, v17;
	v13 =	vmul.f32 v13, v19;
	v26 =	vadd.f32 v21, v24  }
0xdb: {  	v28 =	vadd.s32 $0x800, v15;
	v27 =	vadd.f32 v22, v20  }
0xdc: {  	v29 =	vadd.s32 $0x1, v15;
	v13 =	vadd.f32 v13, v23;
	[tilespmem:$0x1900] =	vst v26  }
0xdd: {  	v30 =	vadd.s32 $0x801, v15;
	[tilespmem:$0x1940] =	vst v27  }
0xde: {  	v31 =	vadd.s32 $0x1000, v15;
	[tilespmem:$0x1980] =	vst v13  }
0xdf: {  	v32 =	vld.idx.msk [tilespmem:v15+s2+$0x0], $0xffff;
	v15 =	vadd.s32 $0x1001, v15  }
0xe0: {  	v18 =	vld.idx.msk [tilespmem:v28+s2+$0x0], $0xffff  }
0xe1: {  	v14 =	vld.idx.msk [tilespmem:v29+s2+$0x0], $0xffff  }
0xe2: {  	v17 =	vld.idx.msk [tilespmem:v30+s2+$0x0], $0xffff  }
0xe3: {  	v13 =	vld.idx.msk [tilespmem:v31+s2+$0x0], $0xffff  }
0xe4: {  	v15 =	vld.idx.msk [tilespmem:v15+s2+$0x0], $0xffff;
	_ =	sdelay $0x2  }
0xe5: {  	v14 =	vsub.f32 v14, v32;
	v17 =	vsub.f32 v17, v18;
	_ =	sdelay $0x1  }
0xe6: {  	v33 =	vmul.f32 v14, v14;
	v34 =	vmul.f32 v17, v17;
	v15 =	vsub.f32 v15, v13;
	_ =	sdelay $0x1  }
0xe7: {  	v20 =	vadd.f32 v34, v33;
	v35 =	vmul.f32 v15, v15;
	_ =	sdelay $0x1  }
0xe8: {  	v20 =	vadd.f32 v35, v20;
	_ =	sdelay $0x1  }
0xe9: {  	v20 =	vmax.f32 v20, $9.999999960e-13  }
0xea: {  	(erf) = vrcp.f32 v20;
	_ =	sdelay $0x1  }
0xeb: {  	v8 =	vsub.f32 v8, v32;
	v10 =	vsub.f32 v10, v18;
	_ =	sdelay $0x1  }
0xec: {  	v11 =	vsub.f32 v11, v13;
	v8 =	vmul.f32 v14, v8;
	v10 =	vmul.f32 v17, v10;
	_ =	sdelay $0x1  }
0xed: {  	v8 =	vadd.f32 v10, v8;
	v36 =	vmul.f32 v15, v11;
	_ =	sdelay $0x1  }
0xee: {  	v8 =	vadd.f32 v36, v8  }
0xef: {  	v37 =	vpop (erf)  }
0xf0: {  	v38 =	vld [tilespmem:$0x1AA0];
	v8 =	vmul.f32 v37, v8  }
0xf1: {  	v39 =	vld [tilespmem:$0x1AE0]  }
0xf2: {  	v8 =	vmax.f32 v8, $0.0e+00  }
0xf3: {  	v8 =	vmin.f32 v8, $1.000000000e+00  }
0xf4: {  	v14 =	vmul.f32 v8, v14  }
0xf5: {  	vm14 =	vlt.f32 v38, v16;
	v17 =	vmul.f32 v8, v17  }
0xf6: {  	v11 =	vsel vm14, v39, v12;
	v8 =	vmul.f32 v8, v15;
	v40 =	vadd.f32 v14, v32  }
0xf7: {  	v42 =	vadd.s32 $0x800, v11;
	v41 =	vadd.f32 v17, v18  }
0xf8: {  	v43 =	vadd.s32 $0x1, v11;
	v8 =	vadd.f32 v8, v13;
	[tilespmem:$0x1910] =	vst v40  }
0xf9: {  	v44 =	vadd.s32 $0x801, v11;
	[tilespmem:$0x1950] =	vst v41  }
0xfa: {  	v45 =	vadd.s32 $0x1000, v11;
	[tilespmem:$0x1990] =	vst v8  }
0xfb: {  	v46 =	vld.idx.msk [tilespmem:v11+s2+$0x0], $0xffff;
	v11 =	vadd.s32 $0x1001, v11  }
0xfc: {  	v14 =	vld.idx.msk [tilespmem:v42+s2+$0x0], $0xffff  }
0xfd: {  	v10 =	vld.idx.msk [tilespmem:v43+s2+$0x0], $0xffff  }
0xfe: {  	v12 =	vld.idx.msk [tilespmem:v44+s2+$0x0], $0xffff  }
0xff: {  	v8 =	vld.idx.msk [tilespmem:v45+s2+$0x0], $0xffff  }
0x100: {  	v11 =	vld.idx.msk [tilespmem:v11+s2+$0x0], $0xffff;
	_ =	sdelay $0x2  }
0x101: {  	v10 =	vsub.f32 v10, v46;
	v12 =	vsub.f32 v12, v14;
	_ =	sdelay $0x1  }
0x102: {  	v47 =	vmul.f32 v10, v10;
	v48 =	vmul.f32 v12, v12;
	v11 =	vsub.f32 v11, v8;
	_ =	sdelay $0x1  }
0x103: {  	v15 =	vadd.f32 v48, v47;
	v49 =	vmul.f32 v11, v11;
	_ =	sdelay $0x1  }
0x104: {  	v15 =	vadd.f32 v49, v15;
	_ =	sdelay $0x1  }
0x105: {  	v15 =	vmax.f32 v15, $9.999999960e-13  }
0x106: {  	(erf) = vrcp.f32 v15;
	_ =	sdelay $0x1  }
0x107: {  	v4 =	vsub.f32 v4, v46;
	v5 =	vsub.f32 v5, v14;
	_ =	sdelay $0x1  }
0x108: {  	v7 =	vsub.f32 v7, v8;
	v4 =	vmul.f32 v10, v4;
	v5 =	vmul.f32 v12, v5;
	_ =	sdelay $0x1  }
0x109: {  	v4 =	vadd.f32 v5, v4;
	v50 =	vmul.f32 v11, v7;
	_ =	sdelay $0x1  }
0x10a: {  	v4 =	vadd.f32 v50, v4  }
0x10b: {  	v51 =	vpop (erf)  }
0x10c: {  	v52 =	vld [tilespmem:$0x1AB0];
	v4 =	vmul.f32 v51, v4  }
0x10d: {  	v53 =	vld [tilespmem:$0x1AF0]  }
0x10e: {  	v4 =	vmax.f32 v4, $0.0e+00  }
0x10f: {  	v4 =	vmin.f32 v4, $1.000000000e+00  }
0x110: {  	v10 =	vmul.f32 v4, v10  }
0x111: {  	vm15 =	vlt.f32 v52, v9;
	v12 =	vmul.f32 v4, v12  }
0x112: {  	v6 =	vsel vm15, v53, v6;
	v4 =	vmul.f32 v4, v11;
	v54 =	vadd.f32 v10, v46  }
0x113: {  	v56 =	vadd.s32 $0x800, v6;
	v55 =	vadd.f32 v12, v14  }
0x114: {  	v57 =	vadd.s32 $0x1, v6;
	v4 =	vadd.f32 v4, v8;
	[tilespmem:$0x1920] =	vst v54  }
0x115: {  	v58 =	vadd.s32 $0x801, v6;
	[tilespmem:$0x1960] =	vst v55  }
0x116: {  	v59 =	vadd.s32 $0x1000, v6;
	[tilespmem:$0x19A0] =	vst v4  }
0x117: {  	v60 =	vld.idx.msk [tilespmem:v6+s2+$0x0], $0xffff;
	v6 =	vadd.s32 $0x1001, v6  }
0x118: {  	v9 =	vld.idx.msk [tilespmem:v56+s2+$0x0], $0xffff  }
0x119: {  	v5 =	vld.idx.msk [tilespmem:v57+s2+$0x0], $0xffff  }
0x11a: {  	v7 =	vld.idx.msk [tilespmem:v58+s2+$0x0], $0xffff  }
0x11b: {  	v4 =	vld.idx.msk [tilespmem:v59+s2+$0x0], $0xffff  }
0x11c: {  	v6 =	vld.idx.msk [tilespmem:v6+s2+$0x0], $0xffff;
	_ =	sdelay $0x2  }
0x11d: {  	v5 =	vsub.f32 v5, v60;
	v7 =	vsub.f32 v7, v9;
	_ =	sdelay $0x1  }
0x11e: {  	v61 =	vmul.f32 v5, v5;
	v62 =	vmul.f32 v7, v7;
	v6 =	vsub.f32 v6, v4;
	_ =	sdelay $0x1  }
0x11f: {  	v10 =	vadd.f32 v62, v61;
	v63 =	vmul.f32 v6, v6;
	_ =	sdelay $0x1  }
0x120: {  	v10 =	vadd.f32 v63, v10;
	_ =	sdelay $0x1  }
0x121: {  	v10 =	vmax.f32 v10, $9.999999960e-13  }
0x122: {  	(erf) = vrcp.f32 v10  }
0x123: {  	v1 =	vsub.f32 v1, v60;
	v2 =	vsub.f32 v2, v9;
	_ =	sdelay $0x1  }
0x124: {  	v3 =	vsub.f32 v3, v4;
	v1 =	vmul.f32 v5, v1;
	v2 =	vmul.f32 v7, v2;
	_ =	sdelay $0x1  }
0x125: {  	v1 =	vadd.f32 v2, v1;
	v2 =	vmul.f32 v6, v3;
	_ =	sdelay $0x2  }
0x126: {  	v1 =	vadd.f32 v2, v1  }
0x127: {  	v2 =	vpop (erf)  }
0x128: {  	v1 =	vmul.f32 v2, v1;
	_ =	sdelay $0x1  }
0x129: {  	v1 =	vmax.f32 v1, $0.0e+00  }
0x12a: {  	v1 =	vmin.f32 v1, $1.000000000e+00  }
0x12b: {  	v2 =	vmul.f32 v1, v5  }
0x12c: {  	v3 =	vmul.f32 v1, v7  }
0x12d: {  	v1 =	vmul.f32 v1, v6;
	v2 =	vadd.f32 v2, v60  }
0x12e: {  	v3 =	vadd.f32 v3, v9  }
0x12f: {  	v1 =	vadd.f32 v1, v4;
	[tilespmem:$0x1930] =	vst v2  }
0x130: {  	[tilespmem:$0x1970] =	vst v3  }
.Ltmp5:
0x131: {  	[tilespmem:$0x19B0] =	vst v1;
	(pc) =	sbr.rel .LBB2_7-.Ltmp5, $4  }
0x132: {  	[hbm4b:s7+s9] =	stream.strided.scatter [tilespmem:s15], [sflag:$0x1], $0x100, s10, s9, $0x38;
	[tilespmem:$0x1B80] =	vst v63  }
0x133: {  	_ =	swait.ge [sflag:s11], $0x100  }
0x134: {  	[sflag:s11] =	ssyncset.done $0x0  }
0x135: {  	[sflag:s11] =	ssyncadd.s32 $0xFFFFFF00  }
.LBB2_8:
0x136: {  	_ =	sfence.sel $0x180000  }
0x137: {  	[bflag:$0x0] =	sbarrier.arrive $0xFFFF  }
0x138: {  	p0 =	sne.s32 s1, $0x0;
	_ =	strace $0x90000047  }
0x139: {  	s0 =	sadd.s32 @!p0 $0x100000, s0;
	[bflag:$0x2] =	sbarrier.arrive $0xFFFF  }
0x13a: {  	[sflag:s0] =	ssyncadd.tile.s32 @!p0 $0x1;
	_ =	shalt  }
.Lfunc_end2:
_tile_overlayer_lowered:
.L_overlay_start_2:
0x13b: {  	(tag) =	ssettag $0x2  }
0x13c: {  	s0 =	rddreg [dreg:$0x0];
	s2 =	stileid.u32  }
0x13d: {  	s1 =	rddreg [dreg:$0x1];
	p0 =	sne.s32 s2, $0x0  }
0x13e: {  	s3 =	rddreg [dreg:$0x2];
	[bflag:$0x3] =	sbarrier.arrive $0xFFFF;
	s2 =	simm.s32 @!p0 $0x1C01  }
0x13f: {  	[timem:s3], [sflag:s2] =	dma.local @!p0 [hbm:s0], s1  }
0x140: {  	s0 =	simm.s32 @!p0 $0x1  }
0x141: {  	_ =	swait.ge @!p0 [sflag:s0], s1  }
0x142: {  	s1 =	ssub.s32 @!p0 $0x0, s1;
	[sflag:s0] =	ssyncset.done @!p0 $0x0  }
0x143: {  	[sflag:s0] =	ssyncadd.s32 @!p0 s1  }
0x144: {  	[bflag:$0x3] =	sbarrier.arrive $0xFFFF  }
0x145: {  	_ =	shalt  }

</sc_bundles>
